<compile_context>
chip_gen: v7x
topology: tpu7x:2x2x1
jax: 0.10.2.dev20260603
libtpu: 0.0.44.dev20260713+nightly
codegen_flags: <defaults>
</compile_context>

<pallas_src>
import functools

import jax
import jax.numpy as jnp
from jax import lax
from jax.experimental import pallas as pl
from jax.experimental.pallas import tpu as pltpu
from jax.experimental.pallas import tpu_sc as plsc

N = 10000
F = 128
E = 320000

NC = 2
NS = 16
NW = NC * NS
K = 128
NCH = -(-E // (NW * K))
PAD_E = NW * NCH * K
NPAD = 10240
DR = NPAD // 128
ROWS_PT = NPAD // NS

_mesh = plsc.VectorSubcoreMesh(core_axis_name="c", subcore_axis_name="s")



@functools.partial(
    pl.kernel,
    out_type=jax.ShapeDtypeStruct((NC, DR, 128), jnp.float32),
    mesh=_mesh,
    compiler_params=pltpu.CompilerParams(needs_layout_passes=False),
    scratch_types=[
        pltpu.VMEM((NCH, K), jnp.int32),
        pltpu.VMEM((DR, 128), jnp.float32),
        pltpu.VMEM((DR,), jnp.int32),
        pltpu.VMEM_SHARED((DR, 128), jnp.float32),
    ],
)
def _sc_degree(col_hbm, z_hbm, deg_out, colv, hist, idxv, deg_sh):
    cid = lax.axis_index("c")
    sid = lax.axis_index("s")
    wid = sid * NC + cid

    pltpu.sync_copy(col_hbm.at[wid], colv)
    zeros16 = jnp.zeros((16,), jnp.float32)

    def zbody(r, carry):
        for j in range(8):
            hist[r, pl.ds(j * 16, 16)] = zeros16
        return carry

    lax.fori_loop(0, DR, zbody, 0)

    @pl.when(sid == 0)
    def _():
        pltpu.sync_copy(z_hbm, deg_sh)
    for j in range(DR // 16):
        idxv[pl.ds(j * 16, 16)] = lax.iota(jnp.int32, 16) + jnp.int32(j * 16)

    ones16 = jnp.ones((16,), jnp.float32)

    def body(j, carry):
        for l in range(8):
            idx = colv[j, pl.ds(l * 16, 16)]
            plsc.addupdate_scatter(hist, [idx // 128, idx % 128], ones16)
        return carry

    lax.fori_loop(0, NCH, body, 0)
    plsc.subcore_barrier()
    pltpu.sync_copy(hist, deg_sh.at[idxv], add=True)
    plsc.subcore_barrier()

    @pl.when(sid == 0)
    def _():
        pltpu.sync_copy(deg_sh, deg_out.at[cid])



@functools.partial(
    pl.kernel,
    out_type=jax.ShapeDtypeStruct((NC, NPAD, F), jnp.float32),
    mesh=_mesh,
    scratch_types=[
        pltpu.VMEM((NCH, K), jnp.int32),
        pltpu.VMEM((NCH, K), jnp.int32),
        pltpu.VMEM((K, F), jnp.float32),
        pltpu.VMEM_SHARED((NPAD, F), jnp.float32),
        pltpu.SemaphoreType.DMA,
    ],
)
def _sc_edge_pass(gs_hbm, row_hbm, col_hbm, z_hbm, acc_out,
                  rowv, colv, rbuf, acc_sh, sem):
    cid = lax.axis_index("c")
    sid = lax.axis_index("s")
    wid = sid * NC + cid

    @pl.when(sid == 0)
    def _():
        pltpu.sync_copy(z_hbm, acc_sh)

    pltpu.sync_copy(row_hbm.at[wid], rowv)
    pltpu.sync_copy(col_hbm.at[wid], colv)
    plsc.subcore_barrier()

    def body(j, carry):
        pltpu.async_copy(gs_hbm.at[rowv.at[j]], rbuf, sem).wait()
        pltpu.sync_copy(rbuf, acc_sh.at[colv.at[j]], add=True)
        return carry

    lax.fori_loop(0, NCH, body, 0)
    plsc.subcore_barrier()
    pltpu.sync_copy(
        acc_sh.at[pl.ds(sid * ROWS_PT, ROWS_PT)],
        acc_out.at[cid, pl.ds(sid * ROWS_PT, ROWS_PT)],
    )



BN = 1000


def _tc_scale_matmul(x, d0, d1, Wc, Wl):

    def body(x_ref, d0_ref, d1_ref, wc_ref, wl_ref, gs_ref, dinv_ref):
        deg = d0_ref[...] + d1_ref[...] + 1.0
        dinv = lax.rsqrt(deg)
        g = jnp.dot(x_ref[...], wc_ref[...], preferred_element_type=jnp.float32)
        g = jnp.dot(g, wl_ref[...], preferred_element_type=jnp.float32)
        gs_ref[...] = g * dinv
        dinv_ref[...] = dinv

    return pl.pallas_call(
        body,
        grid=(N // BN,),
        in_specs=[
            pl.BlockSpec((BN, F), lambda i: (i, 0)),
            pl.BlockSpec((BN, 1), lambda i: (i, 0)),
            pl.BlockSpec((BN, 1), lambda i: (i, 0)),
            pl.BlockSpec((F, F), lambda i: (0, 0)),
            pl.BlockSpec((F, F), lambda i: (0, 0)),
        ],
        out_specs=[
            pl.BlockSpec((BN, F), lambda i: (i, 0)),
            pl.BlockSpec((BN, 1), lambda i: (i, 0)),
        ],
        out_shape=[
            jax.ShapeDtypeStruct((N, F), jnp.float32),
            jax.ShapeDtypeStruct((N, 1), jnp.float32),
        ],
    )(x, d0, d1, Wc, Wl)


def _tc_combine(a0, a1, gs, dinv, Wl, bc2, bl2):

    def body(a0_ref, a1_ref, gs_ref, dinv_ref, wl_ref, bc_ref, bl_ref, o_ref):
        acc = a0_ref[...] + a1_ref[...] + gs_ref[...]
        bf = jnp.dot(bc_ref[...], wl_ref[...],
                     preferred_element_type=jnp.float32) + bl_ref[...]
        o_ref[...] = acc * dinv_ref[...] + bf

    return pl.pallas_call(
        body,
        grid=(N // BN,),
        in_specs=[
            pl.BlockSpec((BN, F), lambda i: (i, 0)),
            pl.BlockSpec((BN, F), lambda i: (i, 0)),
            pl.BlockSpec((BN, F), lambda i: (i, 0)),
            pl.BlockSpec((BN, 1), lambda i: (i, 0)),
            pl.BlockSpec((F, F), lambda i: (0, 0)),
            pl.BlockSpec((1, F), lambda i: (0, 0)),
            pl.BlockSpec((1, F), lambda i: (0, 0)),
        ],
        out_specs=pl.BlockSpec((BN, F), lambda i: (i, 0)),
        out_shape=jax.ShapeDtypeStruct((N, F), jnp.float32),
    )(a0, a1, gs, dinv, Wl, bc2, bl2)



@jax.jit
def kernel(x, edge_index, W_conv, b_conv, W_lin, b_lin):
    row = edge_index[0]
    col = edge_index[1]
    pad = PAD_E - E
    rowp = jnp.concatenate(
        [row, jnp.zeros((pad,), jnp.int32)]).reshape(NW, NCH, K)
    colp = jnp.concatenate(
        [col, jnp.full((pad,), N, jnp.int32)]).reshape(NW, NCH, K)

    zdeg = jnp.zeros((DR, 128), jnp.float32)
    zrows = jnp.zeros((NPAD, F), jnp.float32)

    deg2 = _sc_degree(colp, zdeg)
    gs, dinv = _tc_scale_matmul(x, deg2[0].reshape(NPAD, 1),
                                deg2[1].reshape(NPAD, 1), W_conv, W_lin)
    acc2 = _sc_edge_pass(gs, rowp, colp, zrows)
    out = _tc_combine(acc2[0], acc2[1], gs, dinv, W_lin,
                      b_conv.reshape(1, F), b_lin.reshape(1, F))
    return out

# --- scband reference (transcript-rebuilt; emitter-appended) ---
"""Pipeline reference for scband-rect-l-64982855188849 (READ-ONLY COPY).

The authoritative reference and input builder live on the scoring server;
editing this copy changes nothing except your own understanding.
"""

import jax, jax.numpy as jnp
import numpy as np

N = 10000
E = 320000
IN = 128
HID = 128


def setup_inputs(seed: int = 0) -> dict:
    key = jax.random.key(seed)
    k1, k2, k3, k4, k5, k6 = jax.random.split(key, 6)
    x = jax.random.normal(k1, (N, IN), dtype=jnp.float32)
    edge_index = jax.random.randint(k2, (2, E), 0, N, dtype=jnp.int32)
    # GCNConv weight (glorot) and bias
    limit_c = float(np.sqrt(6.0 / (IN + HID)))
    W_conv = jax.random.uniform(k3, (IN, HID), dtype=jnp.float32, minval=-limit_c, maxval=limit_c)
    b_conv = jnp.zeros((HID,), dtype=jnp.float32)
    # Output Linear(hidden_channels -> in_channels), xavier_uniform weight
    limit_l = float(np.sqrt(6.0 / (HID + IN)))
    W_lin = jax.random.uniform(k4, (HID, IN), dtype=jnp.float32, minval=-limit_l, maxval=limit_l)
    b_lin = jax.random.uniform(k5, (IN,), dtype=jnp.float32, minval=-1.0 / np.sqrt(HID), maxval=1.0 / np.sqrt(HID))
    return {"x": x, "edge_index": edge_index, "W_conv": W_conv, "b_conv": b_conv, "W_lin": W_lin, "b_lin": b_lin}


def reference(x, edge_index, W_conv, b_conv, W_lin, b_lin):
    # --- GCNConv with normalize=True (add self-loops + symmetric norm) ---
    row = edge_index[0]
    col = edge_index[1]
    loop = jnp.arange(N, dtype=row.dtype)
    row = jnp.concatenate([row, loop])
    col = jnp.concatenate([col, loop])
    ew = jnp.ones(row.shape[0], dtype=x.dtype)
    deg = jax.ops.segment_sum(ew, col, num_segments=N)
    deg_inv_sqrt = jnp.where(deg > 0, jax.lax.rsqrt(jnp.maximum(deg, 1e-12)), 0.0)
    norm = deg_inv_sqrt[row] * ew * deg_inv_sqrt[col]
    h = x @ W_conv
    msg = h[row] * norm[:, None]
    out = jax.ops.segment_sum(msg, col, num_segments=N) + b_conv
    # --- dropout p=0.0 -> identity ---
    # --- final Linear(hidden_channels -> in_channels) ---
    return out @ W_lin + b_lin

if __name__ == "__main__":
    import jax
    _d = setup_inputs()
    print(jax.jit(kernel)(*tuple(_d.values())))

</pallas_src>

<mosaic_0001>
#map = affine_map<(d0, d1) -> (0, 0, 0)>
#map1 = affine_map<(d0, d1) -> (0, 0)>
module attributes {stable_mosaic.version = 14 : i64} {
  func.func @_sc_degree(%arg0: i32, %arg1: i32, %arg2: memref<32x79x128xi32, #tpu.memory_space<hbm>>, %arg3: memref<80x128xf32, #tpu.memory_space<hbm>>, %arg4: memref<2x80x128xf32, #tpu.memory_space<hbm>>, %arg5: memref<79x128xi32, #tpu.memory_space<vmem>>, %arg6: memref<80x128xf32, #tpu.memory_space<vmem>>, %arg7: memref<80xi32, #tpu.memory_space<vmem>>, %arg8: memref<80x128xf32, #tpu.memory_space<vmem_shared>>) attributes {dimension_semantics = [#tpu.dimension_semantics<core_parallel>, #tpu.dimension_semantics<subcore_parallel>], iteration_bounds = array<i64: 2, 16>, scalar_prefetch = 0 : i64, scratch_operands = 4 : i64, tpu.core_type = #tpu.core_type<sc_vector_subcore>, window_params = [{transform_indices = #map}, {transform_indices = #map1}, {transform_indices = #map}]} {
    %mul3A = arith.constant 2 : i32
    %mul3A_0 = arith.muli %arg1, %mul3A : i32
    %add3A = arith.addi %mul3A_0, %arg0 : i32
    "tpu.region"() ({
      %run_scoped3A = tpu.sem_alloc : memref<!tpu.dma_semaphore, #tpu.memory_space<semaphore_mem>>
      %dma_start3A = arith.constant 0 : i32
      %dma_start3A_51 = arith.constant 0 : i32
      %dma_start3A_52 = tpu.memref_slice %arg2[%add3A, %dma_start3A, %dma_start3A_51] : memref<32x79x128xi32, #tpu.memory_space<hbm>> -> memref<1x79x128xi32, #tpu.memory_space<hbm>>
      %dma_start3A_53 = tpu.memref_squeeze %dma_start3A_52 : memref<1x79x128xi32, #tpu.memory_space<hbm>> -> memref<79x128xi32, #tpu.memory_space<hbm>>
      %dma_start3A_54 = arith.constant 0 : i32
      %dma_start3A_55 = arith.constant 0 : i32
      %dma_start3A_56 = tpu.memref_slice %arg2[%add3A, %dma_start3A_54, %dma_start3A_55] : memref<32x79x128xi32, #tpu.memory_space<hbm>> -> memref<1x79x128xi32, #tpu.memory_space<hbm>>
      %dma_start3A_57 = tpu.memref_squeeze %dma_start3A_56 : memref<1x79x128xi32, #tpu.memory_space<hbm>> -> memref<79x128xi32, #tpu.memory_space<hbm>>
      tpu.enqueue_dma source(%dma_start3A_57 : memref<79x128xi32, #tpu.memory_space<hbm>>) target(%arg5 : memref<79x128xi32, #tpu.memory_space<vmem>>) target_semaphore(%run_scoped3A : memref<!tpu.dma_semaphore, #tpu.memory_space<semaphore_mem>>)
      %dma_wait3A = arith.constant 0 : i32
      %dma_wait3A_58 = arith.constant 0 : i32
      %dma_wait3A_59 = tpu.memref_slice %arg2[%add3A, %dma_wait3A, %dma_wait3A_58] : memref<32x79x128xi32, #tpu.memory_space<hbm>> -> memref<1x79x128xi32, #tpu.memory_space<hbm>>
      %dma_wait3A_60 = tpu.memref_squeeze %dma_wait3A_59 : memref<1x79x128xi32, #tpu.memory_space<hbm>> -> memref<79x128xi32, #tpu.memory_space<hbm>>
      %dma_wait3A_61 = arith.constant 0 : i32
      %dma_wait3A_62 = arith.constant 0 : i32
      %dma_wait3A_63 = tpu.memref_slice %arg2[%add3A, %dma_wait3A_61, %dma_wait3A_62] : memref<32x79x128xi32, #tpu.memory_space<hbm>> -> memref<1x79x128xi32, #tpu.memory_space<hbm>>
      %dma_wait3A_64 = tpu.memref_squeeze %dma_wait3A_63 : memref<1x79x128xi32, #tpu.memory_space<hbm>> -> memref<79x128xi32, #tpu.memory_space<hbm>>
      tpu.wait_dma2 semaphore(%run_scoped3A : memref<!tpu.dma_semaphore, #tpu.memory_space<semaphore_mem>>) src(%dma_wait3A_64 : memref<79x128xi32, #tpu.memory_space<hbm>>) dst(%arg5 : memref<79x128xi32, #tpu.memory_space<vmem>>)
      tpu.yield
    }) : () -> ()
    %broadcast_in_dim3A = arith.constant 0.000000e+00 : f32
    %broadcast_in_dim3A_1 = vector.broadcast %broadcast_in_dim3A : f32 to vector<16xf32>
    %scan3A = arith.constant 0 : i32
    %scan3A_2 = arith.constant 0 : i32
    %scan3A_3 = arith.constant 80 : i32
    %scan3A_4 = arith.addi %scan3A_2, %scan3A_3 : i32
    %scan3A_5 = arith.constant 1 : i32
    scf.for %scan3A_51 = %scan3A_2 to %scan3A_4 step %scan3A_5  : i32 {
      %swap3A_52 = arith.index_cast %scan3A_51 : i32 to index
      %swap3A_53 = arith.constant 0 : index
      %swap3A_54 = tpu.vector_load %arg6[%swap3A_52, %swap3A_53] {strides = array<i32>} : memref<80x128xf32, #tpu.memory_space<vmem>>, vector<16xf32>,
      tpu.vector_store %arg6[%swap3A_52, %swap3A_53], %broadcast_in_dim3A_1 {strides = array<i32>} : memref<80x128xf32, #tpu.memory_space<vmem>>, vector<16xf32>,
      %swap3A_55 = arith.index_cast %scan3A_51 : i32 to index
      %swap3A_56 = arith.constant 16 : index
      %swap3A_57 = tpu.vector_load %arg6[%swap3A_55, %swap3A_56] {strides = array<i32>} : memref<80x128xf32, #tpu.memory_space<vmem>>, vector<16xf32>,
      tpu.vector_store %arg6[%swap3A_55, %swap3A_56], %broadcast_in_dim3A_1 {strides = array<i32>} : memref<80x128xf32, #tpu.memory_space<vmem>>, vector<16xf32>,
      %swap3A_58 = arith.index_cast %scan3A_51 : i32 to index
      %swap3A_59 = arith.constant 32 : index
      %swap3A_60 = tpu.vector_load %arg6[%swap3A_58, %swap3A_59] {strides = array<i32>} : memref<80x128xf32, #tpu.memory_space<vmem>>, vector<16xf32>,
      tpu.vector_store %arg6[%swap3A_58, %swap3A_59], %broadcast_in_dim3A_1 {strides = array<i32>} : memref<80x128xf32, #tpu.memory_space<vmem>>, vector<16xf32>,
      %swap3A_61 = arith.index_cast %scan3A_51 : i32 to index
      %swap3A_62 = arith.constant 48 : index
      %swap3A_63 = tpu.vector_load %arg6[%swap3A_61, %swap3A_62] {strides = array<i32>} : memref<80x128xf32, #tpu.memory_space<vmem>>, vector<16xf32>,
      tpu.vector_store %arg6[%swap3A_61, %swap3A_62], %broadcast_in_dim3A_1 {strides = array<i32>} : memref<80x128xf32, #tpu.memory_space<vmem>>, vector<16xf32>,
      %swap3A_64 = arith.index_cast %scan3A_51 : i32 to index
      %swap3A_65 = arith.constant 64 : index
      %swap3A_66 = tpu.vector_load %arg6[%swap3A_64, %swap3A_65] {strides = array<i32>} : memref<80x128xf32, #tpu.memory_space<vmem>>, vector<16xf32>,
      tpu.vector_store %arg6[%swap3A_64, %swap3A_65], %broadcast_in_dim3A_1 {strides = array<i32>} : memref<80x128xf32, #tpu.memory_space<vmem>>, vector<16xf32>,
      %swap3A_67 = arith.index_cast %scan3A_51 : i32 to index
      %swap3A_68 = arith.constant 80 : index
      %swap3A_69 = tpu.vector_load %arg6[%swap3A_67, %swap3A_68] {strides = array<i32>} : memref<80x128xf32, #tpu.memory_space<vmem>>, vector<16xf32>,
      tpu.vector_store %arg6[%swap3A_67, %swap3A_68], %broadcast_in_dim3A_1 {strides = array<i32>} : memref<80x128xf32, #tpu.memory_space<vmem>>, vector<16xf32>,
      %swap3A_70 = arith.index_cast %scan3A_51 : i32 to index
      %swap3A_71 = arith.constant 96 : index
      %swap3A_72 = tpu.vector_load %arg6[%swap3A_70, %swap3A_71] {strides = array<i32>} : memref<80x128xf32, #tpu.memory_space<vmem>>, vector<16xf32>,
      tpu.vector_store %arg6[%swap3A_70, %swap3A_71], %broadcast_in_dim3A_1 {strides = array<i32>} : memref<80x128xf32, #tpu.memory_space<vmem>>, vector<16xf32>,
      %swap3A_73 = arith.index_cast %scan3A_51 : i32 to index
      %swap3A_74 = arith.constant 112 : index
      %swap3A_75 = tpu.vector_load %arg6[%swap3A_73, %swap3A_74] {strides = array<i32>} : memref<80x128xf32, #tpu.memory_space<vmem>>, vector<16xf32>,
      tpu.vector_store %arg6[%swap3A_73, %swap3A_74], %broadcast_in_dim3A_1 {strides = array<i32>} : memref<80x128xf32, #tpu.memory_space<vmem>>, vector<16xf32>,
    }
    %scan3A_6 = arith.constant 80 : i32
    %eq3A = arith.constant 0 : i32
    %eq3A_7 = arith.cmpi eq, %arg1, %eq3A : i32
    %convert_element_type3A = arith.extui %eq3A_7 : i1 to i32
    %cond3A = arith.constant 0 : i32
    %cond3A_8 = arith.cmpi ne, %convert_element_type3A, %cond3A : i32
    scf.if %cond3A_8 {
      "tpu.region"() ({
        %run_scoped3A = tpu.sem_alloc : memref<!tpu.dma_semaphore, #tpu.memory_space<semaphore_mem>>
        tpu.enqueue_dma source(%arg3 : memref<80x128xf32, #tpu.memory_space<hbm>>) target(%arg8 : memref<80x128xf32, #tpu.memory_space<vmem_shared>>) target_semaphore(%run_scoped3A : memref<!tpu.dma_semaphore, #tpu.memory_space<semaphore_mem>>)
        tpu.wait_dma2 semaphore(%run_scoped3A : memref<!tpu.dma_semaphore, #tpu.memory_space<semaphore_mem>>) src(%arg3 : memref<80x128xf32, #tpu.memory_space<hbm>>) dst(%arg8 : memref<80x128xf32, #tpu.memory_space<vmem_shared>>)
        tpu.yield
      }) : () -> ()
    } else {
    }
    %iota3A = tpu.iota {dimensions = array<i32: 0>} : vector<16xi32>
    %add3A_9 = arith.constant 0 : i32
    %add3A_10 = vector.broadcast %add3A_9 : i32 to vector<16xi32>
    %add3A_11 = arith.addi %iota3A, %add3A_10 : vector<16xi32>
    %swap3A = arith.constant 0 : index
    %swap3A_12 = tpu.vector_load %arg7[%swap3A] {strides = array<i32>} : memref<80xi32, #tpu.memory_space<vmem>>, vector<16xi32>,
    tpu.vector_store %arg7[%swap3A], %add3A_11 {strides = array<i32>} : memref<80xi32, #tpu.memory_space<vmem>>, vector<16xi32>,
    %iota3A_13 = tpu.iota {dimensions = array<i32: 0>} : vector<16xi32>
    %add3A_14 = arith.constant 16 : i32
    %add3A_15 = vector.broadcast %add3A_14 : i32 to vector<16xi32>
    %add3A_16 = arith.addi %iota3A_13, %add3A_15 : vector<16xi32>
    %swap3A_17 = arith.constant 16 : index
    %swap3A_18 = tpu.vector_load %arg7[%swap3A_17] {strides = array<i32>} : memref<80xi32, #tpu.memory_space<vmem>>, vector<16xi32>,
    tpu.vector_store %arg7[%swap3A_17], %add3A_16 {strides = array<i32>} : memref<80xi32, #tpu.memory_space<vmem>>, vector<16xi32>,
    %iota3A_19 = tpu.iota {dimensions = array<i32: 0>} : vector<16xi32>
    %add3A_20 = arith.constant 32 : i32
    %add3A_21 = vector.broadcast %add3A_20 : i32 to vector<16xi32>
    %add3A_22 = arith.addi %iota3A_19, %add3A_21 : vector<16xi32>
    %swap3A_23 = arith.constant 32 : index
    %swap3A_24 = tpu.vector_load %arg7[%swap3A_23] {strides = array<i32>} : memref<80xi32, #tpu.memory_space<vmem>>, vector<16xi32>,
    tpu.vector_store %arg7[%swap3A_23], %add3A_22 {strides = array<i32>} : memref<80xi32, #tpu.memory_space<vmem>>, vector<16xi32>,
    %iota3A_25 = tpu.iota {dimensions = array<i32: 0>} : vector<16xi32>
    %add3A_26 = arith.constant 48 : i32
    %add3A_27 = vector.broadcast %add3A_26 : i32 to vector<16xi32>
    %add3A_28 = arith.addi %iota3A_25, %add3A_27 : vector<16xi32>
    %swap3A_29 = arith.constant 48 : index
    %swap3A_30 = tpu.vector_load %arg7[%swap3A_29] {strides = array<i32>} : memref<80xi32, #tpu.memory_space<vmem>>, vector<16xi32>,
    tpu.vector_store %arg7[%swap3A_29], %add3A_28 {strides = array<i32>} : memref<80xi32, #tpu.memory_space<vmem>>, vector<16xi32>,
    %iota3A_31 = tpu.iota {dimensions = array<i32: 0>} : vector<16xi32>
    %add3A_32 = arith.constant 64 : i32
    %add3A_33 = vector.broadcast %add3A_32 : i32 to vector<16xi32>
    %add3A_34 = arith.addi %iota3A_31, %add3A_33 : vector<16xi32>
    %swap3A_35 = arith.constant 64 : index
    %swap3A_36 = tpu.vector_load %arg7[%swap3A_35] {strides = array<i32>} : memref<80xi32, #tpu.memory_space<vmem>>, vector<16xi32>,
    tpu.vector_store %arg7[%swap3A_35], %add3A_34 {strides = array<i32>} : memref<80xi32, #tpu.memory_space<vmem>>, vector<16xi32>,
    %broadcast_in_dim3A_37 = arith.constant 1.000000e+00 : f32
    %broadcast_in_dim3A_38 = vector.broadcast %broadcast_in_dim3A_37 : f32 to vector<16xf32>
    %scan3A_39 = arith.constant 0 : i32
    %scan3A_40 = arith.constant 0 : i32
    %scan3A_41 = arith.constant 79 : i32
    %scan3A_42 = arith.addi %scan3A_40, %scan3A_41 : i32
    %scan3A_43 = arith.constant 1 : i32
    scf.for %scan3A_51 = %scan3A_40 to %scan3A_42 step %scan3A_43  : i32 {
      %get3A = arith.index_cast %scan3A_51 : i32 to index
      %get3A_52 = arith.constant 0 : index
      %get3A_53 = tpu.vector_load %arg5[%get3A, %get3A_52] {strides = array<i32>} : memref<79x128xi32, #tpu.memory_space<vmem>>, vector<16xi32>,
      %jit3A = arith.constant 128 : i32
      %div3A = vector.broadcast %jit3A : i32 to vector<16xi32>
      %div3A_54 = arith.divsi %get3A_53, %div3A : vector<16xi32>
      %sign3A = arith.constant 0 : i32
      %sign3A_55 = vector.broadcast %sign3A : i32 to vector<16xi32>
      %sign3A_56 = arith.cmpi sgt, %get3A_53, %sign3A_55 : vector<16xi32>
      %sign3A_57 = arith.extui %sign3A_56 : vector<16xi1> to vector<16xi32>
      %sign3A_58 = arith.constant 0 : i32
      %sign3A_59 = vector.broadcast %sign3A_58 : i32 to vector<16xi32>
      %sign3A_60 = arith.cmpi slt, %get3A_53, %sign3A_59 : vector<16xi32>
      %sign3A_61 = arith.extui %sign3A_60 : vector<16xi1> to vector<16xi32>
      %sign3A_62 = arith.subi %sign3A_57, %sign3A_61 : vector<16xi32>
      %sign3A_63 = arith.constant 0 : i32
      %sign3A_64 = arith.cmpi sgt, %jit3A, %sign3A_63 : i32
      %sign3A_65 = arith.extui %sign3A_64 : i1 to i32
      %sign3A_66 = arith.constant 0 : i32
      %sign3A_67 = arith.cmpi slt, %jit3A, %sign3A_66 : i32
      %sign3A_68 = arith.extui %sign3A_67 : i1 to i32
      %sign3A_69 = arith.subi %sign3A_65, %sign3A_68 : i32
      %ne3A = vector.broadcast %sign3A_69 : i32 to vector<16xi32>
      %ne3A_70 = arith.cmpi ne, %sign3A_62, %ne3A : vector<16xi32>
      %rem3A = vector.broadcast %jit3A : i32 to vector<16xi32>
      %rem3A_71 = arith.remsi %get3A_53, %rem3A : vector<16xi32>
      %ne3A_72 = arith.constant 0 : i32
      %ne3A_73 = vector.broadcast %ne3A_72 : i32 to vector<16xi32>
      %ne3A_74 = arith.cmpi ne, %rem3A_71, %ne3A_73 : vector<16xi32>
      %and3A = arith.andi %ne3A_70, %ne3A_74 : vector<16xi1>
      %sub3A = arith.constant 1 : i32
      %sub3A_75 = vector.broadcast %sub3A : i32 to vector<16xi32>
      %sub3A_76 = arith.subi %div3A_54, %sub3A_75 : vector<16xi32>
      %select_n3A = arith.select %and3A, %sub3A_76, %div3A_54 : vector<16xi1>, vector<16xi32>
      %jit3A_77 = arith.constant 128 : i32
      %eq3A_78 = arith.constant 0 : i32
      %eq3A_79 = arith.cmpi eq, %jit3A_77, %eq3A_78 : i32
      %jit3A_80 = arith.constant 1 : i32
      %select_n3A_81 = arith.select %eq3A_79, %jit3A_80, %jit3A_77 : i32
      %rem3A_82 = vector.broadcast %select_n3A_81 : i32 to vector<16xi32>
      %rem3A_83 = arith.remsi %get3A_53, %rem3A_82 : vector<16xi32>
      %ne3A_84 = arith.constant 0 : i32
      %ne3A_85 = vector.broadcast %ne3A_84 : i32 to vector<16xi32>
      %ne3A_86 = arith.cmpi ne, %rem3A_83, %ne3A_85 : vector<16xi32>
      %lt3A = arith.constant 0 : i32
      %lt3A_87 = vector.broadcast %lt3A : i32 to vector<16xi32>
      %lt3A_88 = arith.cmpi slt, %rem3A_83, %lt3A_87 : vector<16xi32>
      %lt3A_89 = arith.constant 0 : i32
      %lt3A_90 = arith.cmpi slt, %select_n3A_81, %lt3A_89 : i32
      %ne3A_91 = vector.broadcast %lt3A_90 : i1 to vector<16xi1>
      %ne3A_92 = vector.broadcast %ne3A_91 : vector<16xi1> to vector<16xi1>
      %ne3A_93 = arith.xori %lt3A_88, %ne3A_92 : vector<16xi1>
      %and3A_94 = arith.andi %ne3A_93, %ne3A_86 : vector<16xi1>
      %add3A_95 = vector.broadcast %select_n3A_81 : i32 to vector<16xi32>
      %add3A_96 = arith.addi %rem3A_83, %add3A_95 : vector<16xi32>
      %select_n3A_97 = arith.select %and3A_94, %add3A_96, %rem3A_83 : vector<16xi1>, vector<16xi32>
      tpu.vector_store_idx %arg6[%select_n3A, %select_n3A_97], %broadcast_in_dim3A_38 {add = true} : memref<80x128xf32, #tpu.memory_space<vmem>>[vector<16xi32>, vector<16xi32>], vector<16xf32>,
      %get3A_98 = arith.index_cast %scan3A_51 : i32 to index
      %get3A_99 = arith.constant 16 : index
      %get3A_100 = tpu.vector_load %arg5[%get3A_98, %get3A_99] {strides = array<i32>} : memref<79x128xi32, #tpu.memory_space<vmem>>, vector<16xi32>,
      %jit3A_101 = arith.constant 128 : i32
      %div3A_102 = vector.broadcast %jit3A_101 : i32 to vector<16xi32>
      %div3A_103 = arith.divsi %get3A_100, %div3A_102 : vector<16xi32>
      %sign3A_104 = arith.constant 0 : i32
      %sign3A_105 = vector.broadcast %sign3A_104 : i32 to vector<16xi32>
      %sign3A_106 = arith.cmpi sgt, %get3A_100, %sign3A_105 : vector<16xi32>
      %sign3A_107 = arith.extui %sign3A_106 : vector<16xi1> to vector<16xi32>
      %sign3A_108 = arith.constant 0 : i32
      %sign3A_109 = vector.broadcast %sign3A_108 : i32 to vector<16xi32>
      %sign3A_110 = arith.cmpi slt, %get3A_100, %sign3A_109 : vector<16xi32>
      %sign3A_111 = arith.extui %sign3A_110 : vector<16xi1> to vector<16xi32>
      %sign3A_112 = arith.subi %sign3A_107, %sign3A_111 : vector<16xi32>
      %sign3A_113 = arith.constant 0 : i32
      %sign3A_114 = arith.cmpi sgt, %jit3A_101, %sign3A_113 : i32
      %sign3A_115 = arith.extui %sign3A_114 : i1 to i32
      %sign3A_116 = arith.constant 0 : i32
      %sign3A_117 = arith.cmpi slt, %jit3A_101, %sign3A_116 : i32
      %sign3A_118 = arith.extui %sign3A_117 : i1 to i32
      %sign3A_119 = arith.subi %sign3A_115, %sign3A_118 : i32
      %ne3A_120 = vector.broadcast %sign3A_119 : i32 to vector<16xi32>
      %ne3A_121 = arith.cmpi ne, %sign3A_112, %ne3A_120 : vector<16xi32>
      %rem3A_122 = vector.broadcast %jit3A_101 : i32 to vector<16xi32>
      %rem3A_123 = arith.remsi %get3A_100, %rem3A_122 : vector<16xi32>
      %ne3A_124 = arith.constant 0 : i32
      %ne3A_125 = vector.broadcast %ne3A_124 : i32 to vector<16xi32>
      %ne3A_126 = arith.cmpi ne, %rem3A_123, %ne3A_125 : vector<16xi32>
      %and3A_127 = arith.andi %ne3A_121, %ne3A_126 : vector<16xi1>
      %sub3A_128 = arith.constant 1 : i32
      %sub3A_129 = vector.broadcast %sub3A_128 : i32 to vector<16xi32>
      %sub3A_130 = arith.subi %div3A_103, %sub3A_129 : vector<16xi32>
      %select_n3A_131 = arith.select %and3A_127, %sub3A_130, %div3A_103 : vector<16xi1>, vector<16xi32>
      %jit3A_132 = arith.constant 128 : i32
      %eq3A_133 = arith.constant 0 : i32
      %eq3A_134 = arith.cmpi eq, %jit3A_132, %eq3A_133 : i32
      %jit3A_135 = arith.constant 1 : i32
      %select_n3A_136 = arith.select %eq3A_134, %jit3A_135, %jit3A_132 : i32
      %rem3A_137 = vector.broadcast %select_n3A_136 : i32 to vector<16xi32>
      %rem3A_138 = arith.remsi %get3A_100, %rem3A_137 : vector<16xi32>
      %ne3A_139 = arith.constant 0 : i32
      %ne3A_140 = vector.broadcast %ne3A_139 : i32 to vector<16xi32>
      %ne3A_141 = arith.cmpi ne, %rem3A_138, %ne3A_140 : vector<16xi32>
      %lt3A_142 = arith.constant 0 : i32
      %lt3A_143 = vector.broadcast %lt3A_142 : i32 to vector<16xi32>
      %lt3A_144 = arith.cmpi slt, %rem3A_138, %lt3A_143 : vector<16xi32>
      %lt3A_145 = arith.constant 0 : i32
      %lt3A_146 = arith.cmpi slt, %select_n3A_136, %lt3A_145 : i32
      %ne3A_147 = vector.broadcast %lt3A_146 : i1 to vector<16xi1>
      %ne3A_148 = vector.broadcast %ne3A_147 : vector<16xi1> to vector<16xi1>
      %ne3A_149 = arith.xori %lt3A_144, %ne3A_148 : vector<16xi1>
      %and3A_150 = arith.andi %ne3A_149, %ne3A_141 : vector<16xi1>
      %add3A_151 = vector.broadcast %select_n3A_136 : i32 to vector<16xi32>
      %add3A_152 = arith.addi %rem3A_138, %add3A_151 : vector<16xi32>
      %select_n3A_153 = arith.select %and3A_150, %add3A_152, %rem3A_138 : vector<16xi1>, vector<16xi32>
      tpu.vector_store_idx %arg6[%select_n3A_131, %select_n3A_153], %broadcast_in_dim3A_38 {add = true} : memref<80x128xf32, #tpu.memory_space<vmem>>[vector<16xi32>, vector<16xi32>], vector<16xf32>,
      %get3A_154 = arith.index_cast %scan3A_51 : i32 to index
      %get3A_155 = arith.constant 32 : index
      %get3A_156 = tpu.vector_load %arg5[%get3A_154, %get3A_155] {strides = array<i32>} : memref<79x128xi32, #tpu.memory_space<vmem>>, vector<16xi32>,
      %jit3A_157 = arith.constant 128 : i32
      %div3A_158 = vector.broadcast %jit3A_157 : i32 to vector<16xi32>
      %div3A_159 = arith.divsi %get3A_156, %div3A_158 : vector<16xi32>
      %sign3A_160 = arith.constant 0 : i32
      %sign3A_161 = vector.broadcast %sign3A_160 : i32 to vector<16xi32>
      %sign3A_162 = arith.cmpi sgt, %get3A_156, %sign3A_161 : vector<16xi32>
      %sign3A_163 = arith.extui %sign3A_162 : vector<16xi1> to vector<16xi32>
      %sign3A_164 = arith.constant 0 : i32
      %sign3A_165 = vector.broadcast %sign3A_164 : i32 to vector<16xi32>
      %sign3A_166 = arith.cmpi slt, %get3A_156, %sign3A_165 : vector<16xi32>
      %sign3A_167 = arith.extui %sign3A_166 : vector<16xi1> to vector<16xi32>
      %sign3A_168 = arith.subi %sign3A_163, %sign3A_167 : vector<16xi32>
      %sign3A_169 = arith.constant 0 : i32
      %sign3A_170 = arith.cmpi sgt, %jit3A_157, %sign3A_169 : i32
      %sign3A_171 = arith.extui %sign3A_170 : i1 to i32
      %sign3A_172 = arith.constant 0 : i32
      %sign3A_173 = arith.cmpi slt, %jit3A_157, %sign3A_172 : i32
      %sign3A_174 = arith.extui %sign3A_173 : i1 to i32
      %sign3A_175 = arith.subi %sign3A_171, %sign3A_174 : i32
      %ne3A_176 = vector.broadcast %sign3A_175 : i32 to vector<16xi32>
      %ne3A_177 = arith.cmpi ne, %sign3A_168, %ne3A_176 : vector<16xi32>
      %rem3A_178 = vector.broadcast %jit3A_157 : i32 to vector<16xi32>
      %rem3A_179 = arith.remsi %get3A_156, %rem3A_178 : vector<16xi32>
      %ne3A_180 = arith.constant 0 : i32
      %ne3A_181 = vector.broadcast %ne3A_180 : i32 to vector<16xi32>
      %ne3A_182 = arith.cmpi ne, %rem3A_179, %ne3A_181 : vector<16xi32>
      %and3A_183 = arith.andi %ne3A_177, %ne3A_182 : vector<16xi1>
      %sub3A_184 = arith.constant 1 : i32
      %sub3A_185 = vector.broadcast %sub3A_184 : i32 to vector<16xi32>
      %sub3A_186 = arith.subi %div3A_159, %sub3A_185 : vector<16xi32>
      %select_n3A_187 = arith.select %and3A_183, %sub3A_186, %div3A_159 : vector<16xi1>, vector<16xi32>
      %jit3A_188 = arith.constant 128 : i32
      %eq3A_189 = arith.constant 0 : i32
      %eq3A_190 = arith.cmpi eq, %jit3A_188, %eq3A_189 : i32
      %jit3A_191 = arith.constant 1 : i32
      %select_n3A_192 = arith.select %eq3A_190, %jit3A_191, %jit3A_188 : i32
      %rem3A_193 = vector.broadcast %select_n3A_192 : i32 to vector<16xi32>
      %rem3A_194 = arith.remsi %get3A_156, %rem3A_193 : vector<16xi32>
      %ne3A_195 = arith.constant 0 : i32
      %ne3A_196 = vector.broadcast %ne3A_195 : i32 to vector<16xi32>
      %ne3A_197 = arith.cmpi ne, %rem3A_194, %ne3A_196 : vector<16xi32>
      %lt3A_198 = arith.constant 0 : i32
      %lt3A_199 = vector.broadcast %lt3A_198 : i32 to vector<16xi32>
      %lt3A_200 = arith.cmpi slt, %rem3A_194, %lt3A_199 : vector<16xi32>
      %lt3A_201 = arith.constant 0 : i32
      %lt3A_202 = arith.cmpi slt, %select_n3A_192, %lt3A_201 : i32
      %ne3A_203 = vector.broadcast %lt3A_202 : i1 to vector<16xi1>
      %ne3A_204 = vector.broadcast %ne3A_203 : vector<16xi1> to vector<16xi1>
      %ne3A_205 = arith.xori %lt3A_200, %ne3A_204 : vector<16xi1>
      %and3A_206 = arith.andi %ne3A_205, %ne3A_197 : vector<16xi1>
      %add3A_207 = vector.broadcast %select_n3A_192 : i32 to vector<16xi32>
      %add3A_208 = arith.addi %rem3A_194, %add3A_207 : vector<16xi32>
      %select_n3A_209 = arith.select %and3A_206, %add3A_208, %rem3A_194 : vector<16xi1>, vector<16xi32>
      tpu.vector_store_idx %arg6[%select_n3A_187, %select_n3A_209], %broadcast_in_dim3A_38 {add = true} : memref<80x128xf32, #tpu.memory_space<vmem>>[vector<16xi32>, vector<16xi32>], vector<16xf32>,
      %get3A_210 = arith.index_cast %scan3A_51 : i32 to index
      %get3A_211 = arith.constant 48 : index
      %get3A_212 = tpu.vector_load %arg5[%get3A_210, %get3A_211] {strides = array<i32>} : memref<79x128xi32, #tpu.memory_space<vmem>>, vector<16xi32>,
      %jit3A_213 = arith.constant 128 : i32
      %div3A_214 = vector.broadcast %jit3A_213 : i32 to vector<16xi32>
      %div3A_215 = arith.divsi %get3A_212, %div3A_214 : vector<16xi32>
      %sign3A_216 = arith.constant 0 : i32
      %sign3A_217 = vector.broadcast %sign3A_216 : i32 to vector<16xi32>
      %sign3A_218 = arith.cmpi sgt, %get3A_212, %sign3A_217 : vector<16xi32>
      %sign3A_219 = arith.extui %sign3A_218 : vector<16xi1> to vector<16xi32>
      %sign3A_220 = arith.constant 0 : i32
      %sign3A_221 = vector.broadcast %sign3A_220 : i32 to vector<16xi32>
      %sign3A_222 = arith.cmpi slt, %get3A_212, %sign3A_221 : vector<16xi32>
      %sign3A_223 = arith.extui %sign3A_222 : vector<16xi1> to vector<16xi32>
      %sign3A_224 = arith.subi %sign3A_219, %sign3A_223 : vector<16xi32>
      %sign3A_225 = arith.constant 0 : i32
      %sign3A_226 = arith.cmpi sgt, %jit3A_213, %sign3A_225 : i32
      %sign3A_227 = arith.extui %sign3A_226 : i1 to i32
      %sign3A_228 = arith.constant 0 : i32
      %sign3A_229 = arith.cmpi slt, %jit3A_213, %sign3A_228 : i32
      %sign3A_230 = arith.extui %sign3A_229 : i1 to i32
      %sign3A_231 = arith.subi %sign3A_227, %sign3A_230 : i32
      %ne3A_232 = vector.broadcast %sign3A_231 : i32 to vector<16xi32>
      %ne3A_233 = arith.cmpi ne, %sign3A_224, %ne3A_232 : vector<16xi32>
      %rem3A_234 = vector.broadcast %jit3A_213 : i32 to vector<16xi32>
      %rem3A_235 = arith.remsi %get3A_212, %rem3A_234 : vector<16xi32>
      %ne3A_236 = arith.constant 0 : i32
      %ne3A_237 = vector.broadcast %ne3A_236 : i32 to vector<16xi32>
      %ne3A_238 = arith.cmpi ne, %rem3A_235, %ne3A_237 : vector<16xi32>
      %and3A_239 = arith.andi %ne3A_233, %ne3A_238 : vector<16xi1>
      %sub3A_240 = arith.constant 1 : i32
      %sub3A_241 = vector.broadcast %sub3A_240 : i32 to vector<16xi32>
      %sub3A_242 = arith.subi %div3A_215, %sub3A_241 : vector<16xi32>
      %select_n3A_243 = arith.select %and3A_239, %sub3A_242, %div3A_215 : vector<16xi1>, vector<16xi32>
      %jit3A_244 = arith.constant 128 : i32
      %eq3A_245 = arith.constant 0 : i32
      %eq3A_246 = arith.cmpi eq, %jit3A_244, %eq3A_245 : i32
      %jit3A_247 = arith.constant 1 : i32
      %select_n3A_248 = arith.select %eq3A_246, %jit3A_247, %jit3A_244 : i32
      %rem3A_249 = vector.broadcast %select_n3A_248 : i32 to vector<16xi32>
      %rem3A_250 = arith.remsi %get3A_212, %rem3A_249 : vector<16xi32>
      %ne3A_251 = arith.constant 0 : i32
      %ne3A_252 = vector.broadcast %ne3A_251 : i32 to vector<16xi32>
      %ne3A_253 = arith.cmpi ne, %rem3A_250, %ne3A_252 : vector<16xi32>
      %lt3A_254 = arith.constant 0 : i32
      %lt3A_255 = vector.broadcast %lt3A_254 : i32 to vector<16xi32>
      %lt3A_256 = arith.cmpi slt, %rem3A_250, %lt3A_255 : vector<16xi32>
      %lt3A_257 = arith.constant 0 : i32
      %lt3A_258 = arith.cmpi slt, %select_n3A_248, %lt3A_257 : i32
      %ne3A_259 = vector.broadcast %lt3A_258 : i1 to vector<16xi1>
      %ne3A_260 = vector.broadcast %ne3A_259 : vector<16xi1> to vector<16xi1>
      %ne3A_261 = arith.xori %lt3A_256, %ne3A_260 : vector<16xi1>
      %and3A_262 = arith.andi %ne3A_261, %ne3A_253 : vector<16xi1>
      %add3A_263 = vector.broadcast %select_n3A_248 : i32 to vector<16xi32>
      %add3A_264 = arith.addi %rem3A_250, %add3A_263 : vector<16xi32>
      %select_n3A_265 = arith.select %and3A_262, %add3A_264, %rem3A_250 : vector<16xi1>, vector<16xi32>
      tpu.vector_store_idx %arg6[%select_n3A_243, %select_n3A_265], %broadcast_in_dim3A_38 {add = true} : memref<80x128xf32, #tpu.memory_space<vmem>>[vector<16xi32>, vector<16xi32>], vector<16xf32>,
      %get3A_266 = arith.index_cast %scan3A_51 : i32 to index
      %get3A_267 = arith.constant 64 : index
      %get3A_268 = tpu.vector_load %arg5[%get3A_266, %get3A_267] {strides = array<i32>} : memref<79x128xi32, #tpu.memory_space<vmem>>, vector<16xi32>,
      %jit3A_269 = arith.constant 128 : i32
      %div3A_270 = vector.broadcast %jit3A_269 : i32 to vector<16xi32>
      %div3A_271 = arith.divsi %get3A_268, %div3A_270 : vector<16xi32>
      %sign3A_272 = arith.constant 0 : i32
      %sign3A_273 = vector.broadcast %sign3A_272 : i32 to vector<16xi32>
      %sign3A_274 = arith.cmpi sgt, %get3A_268, %sign3A_273 : vector<16xi32>
      %sign3A_275 = arith.extui %sign3A_274 : vector<16xi1> to vector<16xi32>
      %sign3A_276 = arith.constant 0 : i32
      %sign3A_277 = vector.broadcast %sign3A_276 : i32 to vector<16xi32>
      %sign3A_278 = arith.cmpi slt, %get3A_268, %sign3A_277 : vector<16xi32>
      %sign3A_279 = arith.extui %sign3A_278 : vector<16xi1> to vector<16xi32>
      %sign3A_280 = arith.subi %sign3A_275, %sign3A_279 : vector<16xi32>
      %sign3A_281 = arith.constant 0 : i32
      %sign3A_282 = arith.cmpi sgt, %jit3A_269, %sign3A_281 : i32
      %sign3A_283 = arith.extui %sign3A_282 : i1 to i32
      %sign3A_284 = arith.constant 0 : i32
      %sign3A_285 = arith.cmpi slt, %jit3A_269, %sign3A_284 : i32
      %sign3A_286 = arith.extui %sign3A_285 : i1 to i32
      %sign3A_287 = arith.subi %sign3A_283, %sign3A_286 : i32
      %ne3A_288 = vector.broadcast %sign3A_287 : i32 to vector<16xi32>
      %ne3A_289 = arith.cmpi ne, %sign3A_280, %ne3A_288 : vector<16xi32>
      %rem3A_290 = vector.broadcast %jit3A_269 : i32 to vector<16xi32>
      %rem3A_291 = arith.remsi %get3A_268, %rem3A_290 : vector<16xi32>
      %ne3A_292 = arith.constant 0 : i32
      %ne3A_293 = vector.broadcast %ne3A_292 : i32 to vector<16xi32>
      %ne3A_294 = arith.cmpi ne, %rem3A_291, %ne3A_293 : vector<16xi32>
      %and3A_295 = arith.andi %ne3A_289, %ne3A_294 : vector<16xi1>
      %sub3A_296 = arith.constant 1 : i32
      %sub3A_297 = vector.broadcast %sub3A_296 : i32 to vector<16xi32>
      %sub3A_298 = arith.subi %div3A_271, %sub3A_297 : vector<16xi32>
      %select_n3A_299 = arith.select %and3A_295, %sub3A_298, %div3A_271 : vector<16xi1>, vector<16xi32>
      %jit3A_300 = arith.constant 128 : i32
      %eq3A_301 = arith.constant 0 : i32
      %eq3A_302 = arith.cmpi eq, %jit3A_300, %eq3A_301 : i32
      %jit3A_303 = arith.constant 1 : i32
      %select_n3A_304 = arith.select %eq3A_302, %jit3A_303, %jit3A_300 : i32
      %rem3A_305 = vector.broadcast %select_n3A_304 : i32 to vector<16xi32>
      %rem3A_306 = arith.remsi %get3A_268, %rem3A_305 : vector<16xi32>
      %ne3A_307 = arith.constant 0 : i32
      %ne3A_308 = vector.broadcast %ne3A_307 : i32 to vector<16xi32>
      %ne3A_309 = arith.cmpi ne, %rem3A_306, %ne3A_308 : vector<16xi32>
      %lt3A_310 = arith.constant 0 : i32
      %lt3A_311 = vector.broadcast %lt3A_310 : i32 to vector<16xi32>
      %lt3A_312 = arith.cmpi slt, %rem3A_306, %lt3A_311 : vector<16xi32>
      %lt3A_313 = arith.constant 0 : i32
      %lt3A_314 = arith.cmpi slt, %select_n3A_304, %lt3A_313 : i32
      %ne3A_315 = vector.broadcast %lt3A_314 : i1 to vector<16xi1>
      %ne3A_316 = vector.broadcast %ne3A_315 : vector<16xi1> to vector<16xi1>
      %ne3A_317 = arith.xori %lt3A_312, %ne3A_316 : vector<16xi1>
      %and3A_318 = arith.andi %ne3A_317, %ne3A_309 : vector<16xi1>
      %add3A_319 = vector.broadcast %select_n3A_304 : i32 to vector<16xi32>
      %add3A_320 = arith.addi %rem3A_306, %add3A_319 : vector<16xi32>
      %select_n3A_321 = arith.select %and3A_318, %add3A_320, %rem3A_306 : vector<16xi1>, vector<16xi32>
      tpu.vector_store_idx %arg6[%select_n3A_299, %select_n3A_321], %broadcast_in_dim3A_38 {add = true} : memref<80x128xf32, #tpu.memory_space<vmem>>[vector<16xi32>, vector<16xi32>], vector<16xf32>,
      %get3A_322 = arith.index_cast %scan3A_51 : i32 to index
      %get3A_323 = arith.constant 80 : index
      %get3A_324 = tpu.vector_load %arg5[%get3A_322, %get3A_323] {strides = array<i32>} : memref<79x128xi32, #tpu.memory_space<vmem>>, vector<16xi32>,
      %jit3A_325 = arith.constant 128 : i32
      %div3A_326 = vector.broadcast %jit3A_325 : i32 to vector<16xi32>
      %div3A_327 = arith.divsi %get3A_324, %div3A_326 : vector<16xi32>
      %sign3A_328 = arith.constant 0 : i32
      %sign3A_329 = vector.broadcast %sign3A_328 : i32 to vector<16xi32>
      %sign3A_330 = arith.cmpi sgt, %get3A_324, %sign3A_329 : vector<16xi32>
      %sign3A_331 = arith.extui %sign3A_330 : vector<16xi1> to vector<16xi32>
      %sign3A_332 = arith.constant 0 : i32
      %sign3A_333 = vector.broadcast %sign3A_332 : i32 to vector<16xi32>
      %sign3A_334 = arith.cmpi slt, %get3A_324, %sign3A_333 : vector<16xi32>
      %sign3A_335 = arith.extui %sign3A_334 : vector<16xi1> to vector<16xi32>
      %sign3A_336 = arith.subi %sign3A_331, %sign3A_335 : vector<16xi32>
      %sign3A_337 = arith.constant 0 : i32
      %sign3A_338 = arith.cmpi sgt, %jit3A_325, %sign3A_337 : i32
      %sign3A_339 = arith.extui %sign3A_338 : i1 to i32
      %sign3A_340 = arith.constant 0 : i32
      %sign3A_341 = arith.cmpi slt, %jit3A_325, %sign3A_340 : i32
      %sign3A_342 = arith.extui %sign3A_341 : i1 to i32
      %sign3A_343 = arith.subi %sign3A_339, %sign3A_342 : i32
      %ne3A_344 = vector.broadcast %sign3A_343 : i32 to vector<16xi32>
      %ne3A_345 = arith.cmpi ne, %sign3A_336, %ne3A_344 : vector<16xi32>
      %rem3A_346 = vector.broadcast %jit3A_325 : i32 to vector<16xi32>
      %rem3A_347 = arith.remsi %get3A_324, %rem3A_346 : vector<16xi32>
      %ne3A_348 = arith.constant 0 : i32
      %ne3A_349 = vector.broadcast %ne3A_348 : i32 to vector<16xi32>
      %ne3A_350 = arith.cmpi ne, %rem3A_347, %ne3A_349 : vector<16xi32>
      %and3A_351 = arith.andi %ne3A_345, %ne3A_350 : vector<16xi1>
      %sub3A_352 = arith.constant 1 : i32
      %sub3A_353 = vector.broadcast %sub3A_352 : i32 to vector<16xi32>
      %sub3A_354 = arith.subi %div3A_327, %sub3A_353 : vector<16xi32>
      %select_n3A_355 = arith.select %and3A_351, %sub3A_354, %div3A_327 : vector<16xi1>, vector<16xi32>
      %jit3A_356 = arith.constant 128 : i32
      %eq3A_357 = arith.constant 0 : i32
      %eq3A_358 = arith.cmpi eq, %jit3A_356, %eq3A_357 : i32
      %jit3A_359 = arith.constant 1 : i32
      %select_n3A_360 = arith.select %eq3A_358, %jit3A_359, %jit3A_356 : i32
      %rem3A_361 = vector.broadcast %select_n3A_360 : i32 to vector<16xi32>
      %rem3A_362 = arith.remsi %get3A_324, %rem3A_361 : vector<16xi32>
      %ne3A_363 = arith.constant 0 : i32
      %ne3A_364 = vector.broadcast %ne3A_363 : i32 to vector<16xi32>
      %ne3A_365 = arith.cmpi ne, %rem3A_362, %ne3A_364 : vector<16xi32>
      %lt3A_366 = arith.constant 0 : i32
      %lt3A_367 = vector.broadcast %lt3A_366 : i32 to vector<16xi32>
      %lt3A_368 = arith.cmpi slt, %rem3A_362, %lt3A_367 : vector<16xi32>
      %lt3A_369 = arith.constant 0 : i32
      %lt3A_370 = arith.cmpi slt, %select_n3A_360, %lt3A_369 : i32
      %ne3A_371 = vector.broadcast %lt3A_370 : i1 to vector<16xi1>
      %ne3A_372 = vector.broadcast %ne3A_371 : vector<16xi1> to vector<16xi1>
      %ne3A_373 = arith.xori %lt3A_368, %ne3A_372 : vector<16xi1>
      %and3A_374 = arith.andi %ne3A_373, %ne3A_365 : vector<16xi1>
      %add3A_375 = vector.broadcast %select_n3A_360 : i32 to vector<16xi32>
      %add3A_376 = arith.addi %rem3A_362, %add3A_375 : vector<16xi32>
      %select_n3A_377 = arith.select %and3A_374, %add3A_376, %rem3A_362 : vector<16xi1>, vector<16xi32>
      tpu.vector_store_idx %arg6[%select_n3A_355, %select_n3A_377], %broadcast_in_dim3A_38 {add = true} : memref<80x128xf32, #tpu.memory_space<vmem>>[vector<16xi32>, vector<16xi32>], vector<16xf32>,
      %get3A_378 = arith.index_cast %scan3A_51 : i32 to index
      %get3A_379 = arith.constant 96 : index
      %get3A_380 = tpu.vector_load %arg5[%get3A_378, %get3A_379] {strides = array<i32>} : memref<79x128xi32, #tpu.memory_space<vmem>>, vector<16xi32>,
      %jit3A_381 = arith.constant 128 : i32
      %div3A_382 = vector.broadcast %jit3A_381 : i32 to vector<16xi32>
      %div3A_383 = arith.divsi %get3A_380, %div3A_382 : vector<16xi32>
      %sign3A_384 = arith.constant 0 : i32
      %sign3A_385 = vector.broadcast %sign3A_384 : i32 to vector<16xi32>
      %sign3A_386 = arith.cmpi sgt, %get3A_380, %sign3A_385 : vector<16xi32>
      %sign3A_387 = arith.extui %sign3A_386 : vector<16xi1> to vector<16xi32>
      %sign3A_388 = arith.constant 0 : i32
      %sign3A_389 = vector.broadcast %sign3A_388 : i32 to vector<16xi32>
      %sign3A_390 = arith.cmpi slt, %get3A_380, %sign3A_389 : vector<16xi32>
      %sign3A_391 = arith.extui %sign3A_390 : vector<16xi1> to vector<16xi32>
      %sign3A_392 = arith.subi %sign3A_387, %sign3A_391 : vector<16xi32>
      %sign3A_393 = arith.constant 0 : i32
      %sign3A_394 = arith.cmpi sgt, %jit3A_381, %sign3A_393 : i32
      %sign3A_395 = arith.extui %sign3A_394 : i1 to i32
      %sign3A_396 = arith.constant 0 : i32
      %sign3A_397 = arith.cmpi slt, %jit3A_381, %sign3A_396 : i32
      %sign3A_398 = arith.extui %sign3A_397 : i1 to i32
      %sign3A_399 = arith.subi %sign3A_395, %sign3A_398 : i32
      %ne3A_400 = vector.broadcast %sign3A_399 : i32 to vector<16xi32>
      %ne3A_401 = arith.cmpi ne, %sign3A_392, %ne3A_400 : vector<16xi32>
      %rem3A_402 = vector.broadcast %jit3A_381 : i32 to vector<16xi32>
      %rem3A_403 = arith.remsi %get3A_380, %rem3A_402 : vector<16xi32>
      %ne3A_404 = arith.constant 0 : i32
      %ne3A_405 = vector.broadcast %ne3A_404 : i32 to vector<16xi32>
      %ne3A_406 = arith.cmpi ne, %rem3A_403, %ne3A_405 : vector<16xi32>
      %and3A_407 = arith.andi %ne3A_401, %ne3A_406 : vector<16xi1>
      %sub3A_408 = arith.constant 1 : i32
      %sub3A_409 = vector.broadcast %sub3A_408 : i32 to vector<16xi32>
      %sub3A_410 = arith.subi %div3A_383, %sub3A_409 : vector<16xi32>
      %select_n3A_411 = arith.select %and3A_407, %sub3A_410, %div3A_383 : vector<16xi1>, vector<16xi32>
      %jit3A_412 = arith.constant 128 : i32
      %eq3A_413 = arith.constant 0 : i32
      %eq3A_414 = arith.cmpi eq, %jit3A_412, %eq3A_413 : i32
      %jit3A_415 = arith.constant 1 : i32
      %select_n3A_416 = arith.select %eq3A_414, %jit3A_415, %jit3A_412 : i32
      %rem3A_417 = vector.broadcast %select_n3A_416 : i32 to vector<16xi32>
      %rem3A_418 = arith.remsi %get3A_380, %rem3A_417 : vector<16xi32>
      %ne3A_419 = arith.constant 0 : i32
      %ne3A_420 = vector.broadcast %ne3A_419 : i32 to vector<16xi32>
      %ne3A_421 = arith.cmpi ne, %rem3A_418, %ne3A_420 : vector<16xi32>
      %lt3A_422 = arith.constant 0 : i32
      %lt3A_423 = vector.broadcast %lt3A_422 : i32 to vector<16xi32>
      %lt3A_424 = arith.cmpi slt, %rem3A_418, %lt3A_423 : vector<16xi32>
      %lt3A_425 = arith.constant 0 : i32
      %lt3A_426 = arith.cmpi slt, %select_n3A_416, %lt3A_425 : i32
      %ne3A_427 = vector.broadcast %lt3A_426 : i1 to vector<16xi1>
      %ne3A_428 = vector.broadcast %ne3A_427 : vector<16xi1> to vector<16xi1>
      %ne3A_429 = arith.xori %lt3A_424, %ne3A_428 : vector<16xi1>
      %and3A_430 = arith.andi %ne3A_429, %ne3A_421 : vector<16xi1>
      %add3A_431 = vector.broadcast %select_n3A_416 : i32 to vector<16xi32>
      %add3A_432 = arith.addi %rem3A_418, %add3A_431 : vector<16xi32>
      %select_n3A_433 = arith.select %and3A_430, %add3A_432, %rem3A_418 : vector<16xi1>, vector<16xi32>
      tpu.vector_store_idx %arg6[%select_n3A_411, %select_n3A_433], %broadcast_in_dim3A_38 {add = true} : memref<80x128xf32, #tpu.memory_space<vmem>>[vector<16xi32>, vector<16xi32>], vector<16xf32>,
      %get3A_434 = arith.index_cast %scan3A_51 : i32 to index
      %get3A_435 = arith.constant 112 : index
      %get3A_436 = tpu.vector_load %arg5[%get3A_434, %get3A_435] {strides = array<i32>} : memref<79x128xi32, #tpu.memory_space<vmem>>, vector<16xi32>,
      %jit3A_437 = arith.constant 128 : i32
      %div3A_438 = vector.broadcast %jit3A_437 : i32 to vector<16xi32>
      %div3A_439 = arith.divsi %get3A_436, %div3A_438 : vector<16xi32>
      %sign3A_440 = arith.constant 0 : i32
      %sign3A_441 = vector.broadcast %sign3A_440 : i32 to vector<16xi32>
      %sign3A_442 = arith.cmpi sgt, %get3A_436, %sign3A_441 : vector<16xi32>
      %sign3A_443 = arith.extui %sign3A_442 : vector<16xi1> to vector<16xi32>
      %sign3A_444 = arith.constant 0 : i32
      %sign3A_445 = vector.broadcast %sign3A_444 : i32 to vector<16xi32>
      %sign3A_446 = arith.cmpi slt, %get3A_436, %sign3A_445 : vector<16xi32>
      %sign3A_447 = arith.extui %sign3A_446 : vector<16xi1> to vector<16xi32>
      %sign3A_448 = arith.subi %sign3A_443, %sign3A_447 : vector<16xi32>
      %sign3A_449 = arith.constant 0 : i32
      %sign3A_450 = arith.cmpi sgt, %jit3A_437, %sign3A_449 : i32
      %sign3A_451 = arith.extui %sign3A_450 : i1 to i32
      %sign3A_452 = arith.constant 0 : i32
      %sign3A_453 = arith.cmpi slt, %jit3A_437, %sign3A_452 : i32
      %sign3A_454 = arith.extui %sign3A_453 : i1 to i32
      %sign3A_455 = arith.subi %sign3A_451, %sign3A_454 : i32
      %ne3A_456 = vector.broadcast %sign3A_455 : i32 to vector<16xi32>
      %ne3A_457 = arith.cmpi ne, %sign3A_448, %ne3A_456 : vector<16xi32>
      %rem3A_458 = vector.broadcast %jit3A_437 : i32 to vector<16xi32>
      %rem3A_459 = arith.remsi %get3A_436, %rem3A_458 : vector<16xi32>
      %ne3A_460 = arith.constant 0 : i32
      %ne3A_461 = vector.broadcast %ne3A_460 : i32 to vector<16xi32>
      %ne3A_462 = arith.cmpi ne, %rem3A_459, %ne3A_461 : vector<16xi32>
      %and3A_463 = arith.andi %ne3A_457, %ne3A_462 : vector<16xi1>
      %sub3A_464 = arith.constant 1 : i32
      %sub3A_465 = vector.broadcast %sub3A_464 : i32 to vector<16xi32>
      %sub3A_466 = arith.subi %div3A_439, %sub3A_465 : vector<16xi32>
      %select_n3A_467 = arith.select %and3A_463, %sub3A_466, %div3A_439 : vector<16xi1>, vector<16xi32>
      %jit3A_468 = arith.constant 128 : i32
      %eq3A_469 = arith.constant 0 : i32
      %eq3A_470 = arith.cmpi eq, %jit3A_468, %eq3A_469 : i32
      %jit3A_471 = arith.constant 1 : i32
      %select_n3A_472 = arith.select %eq3A_470, %jit3A_471, %jit3A_468 : i32
      %rem3A_473 = vector.broadcast %select_n3A_472 : i32 to vector<16xi32>
      %rem3A_474 = arith.remsi %get3A_436, %rem3A_473 : vector<16xi32>
      %ne3A_475 = arith.constant 0 : i32
      %ne3A_476 = vector.broadcast %ne3A_475 : i32 to vector<16xi32>
      %ne3A_477 = arith.cmpi ne, %rem3A_474, %ne3A_476 : vector<16xi32>
      %lt3A_478 = arith.constant 0 : i32
      %lt3A_479 = vector.broadcast %lt3A_478 : i32 to vector<16xi32>
      %lt3A_480 = arith.cmpi slt, %rem3A_474, %lt3A_479 : vector<16xi32>
      %lt3A_481 = arith.constant 0 : i32
      %lt3A_482 = arith.cmpi slt, %select_n3A_472, %lt3A_481 : i32
      %ne3A_483 = vector.broadcast %lt3A_482 : i1 to vector<16xi1>
      %ne3A_484 = vector.broadcast %ne3A_483 : vector<16xi1> to vector<16xi1>
      %ne3A_485 = arith.xori %lt3A_480, %ne3A_484 : vector<16xi1>
      %and3A_486 = arith.andi %ne3A_485, %ne3A_477 : vector<16xi1>
      %add3A_487 = vector.broadcast %select_n3A_472 : i32 to vector<16xi32>
      %add3A_488 = arith.addi %rem3A_474, %add3A_487 : vector<16xi32>
      %select_n3A_489 = arith.select %and3A_486, %add3A_488, %rem3A_474 : vector<16xi1>, vector<16xi32>
      tpu.vector_store_idx %arg6[%select_n3A_467, %select_n3A_489], %broadcast_in_dim3A_38 {add = true} : memref<80x128xf32, #tpu.memory_space<vmem>>[vector<16xi32>, vector<16xi32>], vector<16xf32>,
    }
    %scan3A_44 = arith.constant 79 : i32
    %barrier3A = arith.constant 0 : index
    tpu.barrier barrier_id(%barrier3A)
    "tpu.region"() ({
      %run_scoped3A = tpu.sem_alloc : memref<!tpu.dma_semaphore, #tpu.memory_space<semaphore_mem>>
      %dma_start3A = arith.constant 0 : i32
      %dma_start3A_51 = arith.constant 0 : i32
      %dma_start3A_52 = tpu.memref_slice %arg8[%dma_start3A, %dma_start3A_51] : memref<80x128xf32, #tpu.memory_space<vmem_shared>> -> memref<80x128xf32, #tpu.memory_space<vmem_shared>>
      tpu.enqueue_indirect_dma source(%arg6 : memref<80x128xf32, #tpu.memory_space<vmem>>) target(%dma_start3A_52 : memref<80x128xf32, #tpu.memory_space<vmem_shared>>) offsets(%arg7 : memref<80xi32, #tpu.memory_space<vmem>>) semaphore(%run_scoped3A : memref<!tpu.dma_semaphore, #tpu.memory_space<semaphore_mem>>) {add = true}
      %dma_wait3A = arith.constant 0 : i32
      %dma_wait3A_53 = arith.constant 0 : i32
      %dma_wait3A_54 = tpu.memref_slice %arg8[%dma_wait3A, %dma_wait3A_53] : memref<80x128xf32, #tpu.memory_space<vmem_shared>> -> memref<80x128xf32, #tpu.memory_space<vmem_shared>>
      tpu.wait_indirect_dma semaphore(%run_scoped3A : memref<!tpu.dma_semaphore, #tpu.memory_space<semaphore_mem>>) src(%arg6 : memref<80x128xf32, #tpu.memory_space<vmem>>) dst(%dma_wait3A_54 : memref<80x128xf32, #tpu.memory_space<vmem_shared>>)
      tpu.yield
    }) : () -> ()
    %barrier3A_45 = arith.constant 0 : index
    tpu.barrier barrier_id(%barrier3A_45)
    %eq3A_46 = arith.constant 0 : i32
    %eq3A_47 = arith.cmpi eq, %arg1, %eq3A_46 : i32
    %convert_element_type3A_48 = arith.extui %eq3A_47 : i1 to i32
    %cond3A_49 = arith.constant 0 : i32
    %cond3A_50 = arith.cmpi ne, %convert_element_type3A_48, %cond3A_49 : i32
    scf.if %cond3A_50 {
      "tpu.region"() ({
        %run_scoped3A = tpu.sem_alloc : memref<!tpu.dma_semaphore, #tpu.memory_space<semaphore_mem>>
        %dma_start3A = arith.constant 0 : i32
        %dma_start3A_51 = arith.constant 0 : i32
        %dma_start3A_52 = tpu.memref_slice %arg4[%arg0, %dma_start3A, %dma_start3A_51] : memref<2x80x128xf32, #tpu.memory_space<hbm>> -> memref<1x80x128xf32, #tpu.memory_space<hbm>>
        %dma_start3A_53 = tpu.memref_squeeze %dma_start3A_52 : memref<1x80x128xf32, #tpu.memory_space<hbm>> -> memref<80x128xf32, #tpu.memory_space<hbm>>
        tpu.enqueue_dma source(%arg8 : memref<80x128xf32, #tpu.memory_space<vmem_shared>>) target(%dma_start3A_53 : memref<80x128xf32, #tpu.memory_space<hbm>>) target_semaphore(%run_scoped3A : memref<!tpu.dma_semaphore, #tpu.memory_space<semaphore_mem>>)
        %dma_wait3A = arith.constant 0 : i32
        %dma_wait3A_54 = arith.constant 0 : i32
        %dma_wait3A_55 = tpu.memref_slice %arg4[%arg0, %dma_wait3A, %dma_wait3A_54] : memref<2x80x128xf32, #tpu.memory_space<hbm>> -> memref<1x80x128xf32, #tpu.memory_space<hbm>>
        %dma_wait3A_56 = tpu.memref_squeeze %dma_wait3A_55 : memref<1x80x128xf32, #tpu.memory_space<hbm>> -> memref<80x128xf32, #tpu.memory_space<hbm>>
        tpu.wait_dma2 semaphore(%run_scoped3A : memref<!tpu.dma_semaphore, #tpu.memory_space<semaphore_mem>>) src(%arg8 : memref<80x128xf32, #tpu.memory_space<vmem_shared>>) dst(%dma_wait3A_56 : memref<80x128xf32, #tpu.memory_space<hbm>>)
        tpu.yield
      }) : () -> ()
    } else {
    }
    return
  }
}

#map = affine_map<(d0, d1) -> (0, 0)>
#map1 = affine_map<(d0, d1) -> (0, 0, 0)>
module attributes {stable_mosaic.version = 14 : i64} {
  func.func @_sc_edge_pass(%arg0: i32, %arg1: i32, %arg2: memref<10000x128xf32, #tpu.memory_space<hbm>>, %arg3: memref<32x79x128xi32, #tpu.memory_space<hbm>>, %arg4: memref<32x79x128xi32, #tpu.memory_space<hbm>>, %arg5: memref<10240x128xf32, #tpu.memory_space<hbm>>, %arg6: memref<2x10240x128xf32, #tpu.memory_space<hbm>>, %arg7: memref<79x128xi32, #tpu.memory_space<vmem>>, %arg8: memref<79x128xi32, #tpu.memory_space<vmem>>, %arg9: memref<128x128xf32, #tpu.memory_space<vmem>>, %arg10: memref<10240x128xf32, #tpu.memory_space<vmem_shared>>, %arg11: memref<!tpu.dma_semaphore, #tpu.memory_space<semaphore_mem>>) attributes {dimension_semantics = [#tpu.dimension_semantics<core_parallel>, #tpu.dimension_semantics<subcore_parallel>], iteration_bounds = array<i64: 2, 16>, scalar_prefetch = 0 : i64, scratch_operands = 5 : i64, tpu.core_type = #tpu.core_type<sc_vector_subcore>, window_params = [{transform_indices = #map}, {transform_indices = #map1}, {transform_indices = #map1}, {transform_indices = #map}, {transform_indices = #map1}]} {
    %mul3A = arith.constant 2 : i32
    %mul3A_0 = arith.muli %arg1, %mul3A : i32
    %add3A = arith.addi %mul3A_0, %arg0 : i32
    %eq3A = arith.constant 0 : i32
    %eq3A_1 = arith.cmpi eq, %arg1, %eq3A : i32
    %convert_element_type3A = arith.extui %eq3A_1 : i1 to i32
    %cond3A = arith.constant 0 : i32
    %cond3A_2 = arith.cmpi ne, %convert_element_type3A, %cond3A : i32
    scf.if %cond3A_2 {
      "tpu.region"() ({
        %run_scoped3A = tpu.sem_alloc : memref<!tpu.dma_semaphore, #tpu.memory_space<semaphore_mem>>
        tpu.enqueue_dma source(%arg5 : memref<10240x128xf32, #tpu.memory_space<hbm>>) target(%arg10 : memref<10240x128xf32, #tpu.memory_space<vmem_shared>>) target_semaphore(%run_scoped3A : memref<!tpu.dma_semaphore, #tpu.memory_space<semaphore_mem>>)
        tpu.wait_dma2 semaphore(%run_scoped3A : memref<!tpu.dma_semaphore, #tpu.memory_space<semaphore_mem>>) src(%arg5 : memref<10240x128xf32, #tpu.memory_space<hbm>>) dst(%arg10 : memref<10240x128xf32, #tpu.memory_space<vmem_shared>>)
        tpu.yield
      }) : () -> ()
    } else {
    }
    "tpu.region"() ({
      %run_scoped3A = tpu.sem_alloc : memref<!tpu.dma_semaphore, #tpu.memory_space<semaphore_mem>>
      %dma_start3A = arith.constant 0 : i32
      %dma_start3A_13 = arith.constant 0 : i32
      %dma_start3A_14 = tpu.memref_slice %arg3[%add3A, %dma_start3A, %dma_start3A_13] : memref<32x79x128xi32, #tpu.memory_space<hbm>> -> memref<1x79x128xi32, #tpu.memory_space<hbm>>
      %dma_start3A_15 = tpu.memref_squeeze %dma_start3A_14 : memref<1x79x128xi32, #tpu.memory_space<hbm>> -> memref<79x128xi32, #tpu.memory_space<hbm>>
      %dma_start3A_16 = arith.constant 0 : i32
      %dma_start3A_17 = arith.constant 0 : i32
      %dma_start3A_18 = tpu.memref_slice %arg3[%add3A, %dma_start3A_16, %dma_start3A_17] : memref<32x79x128xi32, #tpu.memory_space<hbm>> -> memref<1x79x128xi32, #tpu.memory_space<hbm>>
      %dma_start3A_19 = tpu.memref_squeeze %dma_start3A_18 : memref<1x79x128xi32, #tpu.memory_space<hbm>> -> memref<79x128xi32, #tpu.memory_space<hbm>>
      tpu.enqueue_dma source(%dma_start3A_19 : memref<79x128xi32, #tpu.memory_space<hbm>>) target(%arg7 : memref<79x128xi32, #tpu.memory_space<vmem>>) target_semaphore(%run_scoped3A : memref<!tpu.dma_semaphore, #tpu.memory_space<semaphore_mem>>)
      %dma_wait3A = arith.constant 0 : i32
      %dma_wait3A_20 = arith.constant 0 : i32
      %dma_wait3A_21 = tpu.memref_slice %arg3[%add3A, %dma_wait3A, %dma_wait3A_20] : memref<32x79x128xi32, #tpu.memory_space<hbm>> -> memref<1x79x128xi32, #tpu.memory_space<hbm>>
      %dma_wait3A_22 = tpu.memref_squeeze %dma_wait3A_21 : memref<1x79x128xi32, #tpu.memory_space<hbm>> -> memref<79x128xi32, #tpu.memory_space<hbm>>
      %dma_wait3A_23 = arith.constant 0 : i32
      %dma_wait3A_24 = arith.constant 0 : i32
      %dma_wait3A_25 = tpu.memref_slice %arg3[%add3A, %dma_wait3A_23, %dma_wait3A_24] : memref<32x79x128xi32, #tpu.memory_space<hbm>> -> memref<1x79x128xi32, #tpu.memory_space<hbm>>
      %dma_wait3A_26 = tpu.memref_squeeze %dma_wait3A_25 : memref<1x79x128xi32, #tpu.memory_space<hbm>> -> memref<79x128xi32, #tpu.memory_space<hbm>>
      tpu.wait_dma2 semaphore(%run_scoped3A : memref<!tpu.dma_semaphore, #tpu.memory_space<semaphore_mem>>) src(%dma_wait3A_26 : memref<79x128xi32, #tpu.memory_space<hbm>>) dst(%arg7 : memref<79x128xi32, #tpu.memory_space<vmem>>)
      tpu.yield
    }) : () -> ()
    "tpu.region"() ({
      %run_scoped3A = tpu.sem_alloc : memref<!tpu.dma_semaphore, #tpu.memory_space<semaphore_mem>>
      %dma_start3A = arith.constant 0 : i32
      %dma_start3A_13 = arith.constant 0 : i32
      %dma_start3A_14 = tpu.memref_slice %arg4[%add3A, %dma_start3A, %dma_start3A_13] : memref<32x79x128xi32, #tpu.memory_space<hbm>> -> memref<1x79x128xi32, #tpu.memory_space<hbm>>
      %dma_start3A_15 = tpu.memref_squeeze %dma_start3A_14 : memref<1x79x128xi32, #tpu.memory_space<hbm>> -> memref<79x128xi32, #tpu.memory_space<hbm>>
      %dma_start3A_16 = arith.constant 0 : i32
      %dma_start3A_17 = arith.constant 0 : i32
      %dma_start3A_18 = tpu.memref_slice %arg4[%add3A, %dma_start3A_16, %dma_start3A_17] : memref<32x79x128xi32, #tpu.memory_space<hbm>> -> memref<1x79x128xi32, #tpu.memory_space<hbm>>
      %dma_start3A_19 = tpu.memref_squeeze %dma_start3A_18 : memref<1x79x128xi32, #tpu.memory_space<hbm>> -> memref<79x128xi32, #tpu.memory_space<hbm>>
      tpu.enqueue_dma source(%dma_start3A_19 : memref<79x128xi32, #tpu.memory_space<hbm>>) target(%arg8 : memref<79x128xi32, #tpu.memory_space<vmem>>) target_semaphore(%run_scoped3A : memref<!tpu.dma_semaphore, #tpu.memory_space<semaphore_mem>>)
      %dma_wait3A = arith.constant 0 : i32
      %dma_wait3A_20 = arith.constant 0 : i32
      %dma_wait3A_21 = tpu.memref_slice %arg4[%add3A, %dma_wait3A, %dma_wait3A_20] : memref<32x79x128xi32, #tpu.memory_space<hbm>> -> memref<1x79x128xi32, #tpu.memory_space<hbm>>
      %dma_wait3A_22 = tpu.memref_squeeze %dma_wait3A_21 : memref<1x79x128xi32, #tpu.memory_space<hbm>> -> memref<79x128xi32, #tpu.memory_space<hbm>>
      %dma_wait3A_23 = arith.constant 0 : i32
      %dma_wait3A_24 = arith.constant 0 : i32
      %dma_wait3A_25 = tpu.memref_slice %arg4[%add3A, %dma_wait3A_23, %dma_wait3A_24] : memref<32x79x128xi32, #tpu.memory_space<hbm>> -> memref<1x79x128xi32, #tpu.memory_space<hbm>>
      %dma_wait3A_26 = tpu.memref_squeeze %dma_wait3A_25 : memref<1x79x128xi32, #tpu.memory_space<hbm>> -> memref<79x128xi32, #tpu.memory_space<hbm>>
      tpu.wait_dma2 semaphore(%run_scoped3A : memref<!tpu.dma_semaphore, #tpu.memory_space<semaphore_mem>>) src(%dma_wait3A_26 : memref<79x128xi32, #tpu.memory_space<hbm>>) dst(%arg8 : memref<79x128xi32, #tpu.memory_space<vmem>>)
      tpu.yield
    }) : () -> ()
    %barrier3A = arith.constant 0 : index
    tpu.barrier barrier_id(%barrier3A)
    %scan3A = arith.constant 0 : i32
    %scan3A_3 = arith.constant 0 : i32
    %scan3A_4 = arith.constant 79 : i32
    %scan3A_5 = arith.addi %scan3A_3, %scan3A_4 : i32
    %scan3A_6 = arith.constant 1 : i32
    scf.for %scan3A_13 = %scan3A_3 to %scan3A_5 step %scan3A_6  : i32 {
      %dma_start3A = arith.constant 0 : i32
      %dma_start3A_14 = tpu.memref_slice %arg7[%scan3A_13, %dma_start3A] : memref<79x128xi32, #tpu.memory_space<vmem>> -> memref<1x128xi32, #tpu.memory_space<vmem>>
      %dma_start3A_15 = tpu.memref_squeeze %dma_start3A_14 : memref<1x128xi32, #tpu.memory_space<vmem>> -> memref<128xi32, #tpu.memory_space<vmem>>
      %dma_start3A_16 = arith.constant 0 : i32
      %dma_start3A_17 = arith.constant 0 : i32
      %dma_start3A_18 = tpu.memref_slice %arg2[%dma_start3A_16, %dma_start3A_17] : memref<10000x128xf32, #tpu.memory_space<hbm>> -> memref<10000x128xf32, #tpu.memory_space<hbm>>
      tpu.enqueue_indirect_dma source(%dma_start3A_18 : memref<10000x128xf32, #tpu.memory_space<hbm>>) target(%arg9 : memref<128x128xf32, #tpu.memory_space<vmem>>) offsets(%dma_start3A_15 : memref<128xi32, #tpu.memory_space<vmem>>) semaphore(%arg11 : memref<!tpu.dma_semaphore, #tpu.memory_space<semaphore_mem>>)
      %dma_wait3A = arith.constant 0 : i32
      %dma_wait3A_19 = tpu.memref_slice %arg7[%scan3A_13, %dma_wait3A] : memref<79x128xi32, #tpu.memory_space<vmem>> -> memref<1x128xi32, #tpu.memory_space<vmem>>
      %dma_wait3A_20 = tpu.memref_squeeze %dma_wait3A_19 : memref<1x128xi32, #tpu.memory_space<vmem>> -> memref<128xi32, #tpu.memory_space<vmem>>
      %dma_wait3A_21 = arith.constant 0 : i32
      %dma_wait3A_22 = arith.constant 0 : i32
      %dma_wait3A_23 = tpu.memref_slice %arg2[%dma_wait3A_21, %dma_wait3A_22] : memref<10000x128xf32, #tpu.memory_space<hbm>> -> memref<10000x128xf32, #tpu.memory_space<hbm>>
      tpu.wait_indirect_dma semaphore(%arg11 : memref<!tpu.dma_semaphore, #tpu.memory_space<semaphore_mem>>) src(%dma_wait3A_23 : memref<10000x128xf32, #tpu.memory_space<hbm>>) dst(%arg9 : memref<128x128xf32, #tpu.memory_space<vmem>>)
      "tpu.region"() ({
        %run_scoped3A = tpu.sem_alloc : memref<!tpu.dma_semaphore, #tpu.memory_space<semaphore_mem>>
        %dma_start3A_24 = arith.constant 0 : i32
        %dma_start3A_25 = tpu.memref_slice %arg8[%scan3A_13, %dma_start3A_24] : memref<79x128xi32, #tpu.memory_space<vmem>> -> memref<1x128xi32, #tpu.memory_space<vmem>>
        %dma_start3A_26 = tpu.memref_squeeze %dma_start3A_25 : memref<1x128xi32, #tpu.memory_space<vmem>> -> memref<128xi32, #tpu.memory_space<vmem>>
        %dma_start3A_27 = arith.constant 0 : i32
        %dma_start3A_28 = arith.constant 0 : i32
        %dma_start3A_29 = tpu.memref_slice %arg10[%dma_start3A_27, %dma_start3A_28] : memref<10240x128xf32, #tpu.memory_space<vmem_shared>> -> memref<10240x128xf32, #tpu.memory_space<vmem_shared>>
        tpu.enqueue_indirect_dma source(%arg9 : memref<128x128xf32, #tpu.memory_space<vmem>>) target(%dma_start3A_29 : memref<10240x128xf32, #tpu.memory_space<vmem_shared>>) offsets(%dma_start3A_26 : memref<128xi32, #tpu.memory_space<vmem>>) semaphore(%run_scoped3A : memref<!tpu.dma_semaphore, #tpu.memory_space<semaphore_mem>>) {add = true}
        %dma_wait3A_30 = arith.constant 0 : i32
        %dma_wait3A_31 = tpu.memref_slice %arg8[%scan3A_13, %dma_wait3A_30] : memref<79x128xi32, #tpu.memory_space<vmem>> -> memref<1x128xi32, #tpu.memory_space<vmem>>
        %dma_wait3A_32 = tpu.memref_squeeze %dma_wait3A_31 : memref<1x128xi32, #tpu.memory_space<vmem>> -> memref<128xi32, #tpu.memory_space<vmem>>
        %dma_wait3A_33 = arith.constant 0 : i32
        %dma_wait3A_34 = arith.constant 0 : i32
        %dma_wait3A_35 = tpu.memref_slice %arg10[%dma_wait3A_33, %dma_wait3A_34] : memref<10240x128xf32, #tpu.memory_space<vmem_shared>> -> memref<10240x128xf32, #tpu.memory_space<vmem_shared>>
        tpu.wait_indirect_dma semaphore(%run_scoped3A : memref<!tpu.dma_semaphore, #tpu.memory_space<semaphore_mem>>) src(%arg9 : memref<128x128xf32, #tpu.memory_space<vmem>>) dst(%dma_wait3A_35 : memref<10240x128xf32, #tpu.memory_space<vmem_shared>>)
        tpu.yield
      }) : () -> ()
    }
    %scan3A_7 = arith.constant 79 : i32
    %barrier3A_8 = arith.constant 0 : index
    tpu.barrier barrier_id(%barrier3A_8)
    %mul3A_9 = arith.constant 640 : i32
    %mul3A_10 = arith.muli %arg1, %mul3A_9 : i32
    %mul3A_11 = arith.constant 640 : i32
    %mul3A_12 = arith.muli %arg1, %mul3A_11 : i32
    "tpu.region"() ({
      %run_scoped3A = tpu.sem_alloc : memref<!tpu.dma_semaphore, #tpu.memory_space<semaphore_mem>>
      %dma_start3A = arith.constant 0 : i32
      %dma_start3A_13 = tpu.memref_slice %arg6[%arg0, %mul3A_12, %dma_start3A] : memref<2x10240x128xf32, #tpu.memory_space<hbm>> -> memref<1x640x128xf32, #tpu.memory_space<hbm>>
      %dma_start3A_14 = tpu.memref_squeeze %dma_start3A_13 : memref<1x640x128xf32, #tpu.memory_space<hbm>> -> memref<640x128xf32, #tpu.memory_space<hbm>>
      %dma_start3A_15 = arith.constant 0 : i32
      %dma_start3A_16 = tpu.memref_slice %arg10[%mul3A_10, %dma_start3A_15] : memref<10240x128xf32, #tpu.memory_space<vmem_shared>> -> memref<640x128xf32, #tpu.memory_space<vmem_shared>>
      tpu.enqueue_dma source(%dma_start3A_16 : memref<640x128xf32, #tpu.memory_space<vmem_shared>>) target(%dma_start3A_14 : memref<640x128xf32, #tpu.memory_space<hbm>>) target_semaphore(%run_scoped3A : memref<!tpu.dma_semaphore, #tpu.memory_space<semaphore_mem>>)
      %dma_wait3A = arith.constant 0 : i32
      %dma_wait3A_17 = tpu.memref_slice %arg6[%arg0, %mul3A_12, %dma_wait3A] : memref<2x10240x128xf32, #tpu.memory_space<hbm>> -> memref<1x640x128xf32, #tpu.memory_space<hbm>>
      %dma_wait3A_18 = tpu.memref_squeeze %dma_wait3A_17 : memref<1x640x128xf32, #tpu.memory_space<hbm>> -> memref<640x128xf32, #tpu.memory_space<hbm>>
      %dma_wait3A_19 = arith.constant 0 : i32
      %dma_wait3A_20 = tpu.memref_slice %arg10[%mul3A_10, %dma_wait3A_19] : memref<10240x128xf32, #tpu.memory_space<vmem_shared>> -> memref<640x128xf32, #tpu.memory_space<vmem_shared>>
      tpu.wait_dma2 semaphore(%run_scoped3A : memref<!tpu.dma_semaphore, #tpu.memory_space<semaphore_mem>>) src(%dma_wait3A_20 : memref<640x128xf32, #tpu.memory_space<vmem_shared>>) dst(%dma_wait3A_18 : memref<640x128xf32, #tpu.memory_space<hbm>>)
      tpu.yield
    }) : () -> ()
    return
  }
}

module attributes {stable_mosaic.version = 14 : i64} {
  func.func @body(%arg0: i32, %arg1: memref<1000x128xf32, #tpu.memory_space<vmem>>, %arg2: memref<1000x1xf32, #tpu.memory_space<vmem>>, %arg3: memref<1000x1xf32, #tpu.memory_space<vmem>>, %arg4: memref<128x128xf32, #tpu.memory_space<vmem>>, %arg5: memref<128x128xf32, #tpu.memory_space<vmem>>, %arg6: memref<1000x128xf32, #tpu.memory_space<vmem>>, %arg7: memref<1000x1xf32, #tpu.memory_space<vmem>>) attributes {dimension_semantics = [#tpu.dimension_semantics<arbitrary>], iteration_bounds = array<i64: 10>, scalar_prefetch = 0 : i64, scratch_operands = 0 : i64, tpu.core_type = #tpu.core_type<tc>, window_params = [{transform_indices = @transform_0, window_bounds = array<i64: 1000, 128>}, {transform_indices = @transform_1, window_bounds = array<i64: 1000, 1>}, {transform_indices = @transform_2, window_bounds = array<i64: 1000, 1>}, {pipeline_mode = #tpu.pipeline_mode<synchronous>, transform_indices = @transform_3, window_bounds = array<i64: 128, 128>}, {pipeline_mode = #tpu.pipeline_mode<synchronous>, transform_indices = @transform_4, window_bounds = array<i64: 128, 128>}, {transform_indices = @transform_5, window_bounds = array<i64: 1000, 128>}, {transform_indices = @transform_6, window_bounds = array<i64: 1000, 1>}]} {
    %get3A = arith.constant 0 : index
    %get3A_0 = arith.constant 0 : index
    %get3A_1 = vector.load %arg2[%get3A, %get3A_0] : memref<1000x1xf32, #tpu.memory_space<vmem>>, vector<1000x1xf32>
    %get3A_2 = arith.constant 0 : index
    %get3A_3 = arith.constant 0 : index
    %get3A_4 = vector.load %arg3[%get3A_2, %get3A_3] : memref<1000x1xf32, #tpu.memory_space<vmem>>, vector<1000x1xf32>
    %add3A = arith.addf %get3A_1, %get3A_4 : vector<1000x1xf32>
    %add3A_5 = arith.constant 1.000000e+00 : f32
    %add3A_6 = vector.broadcast %add3A_5 : f32 to vector<1000x1xf32>
    %add3A_7 = arith.addf %add3A, %add3A_6 : vector<1000x1xf32>
    %rsqrt3A = math.rsqrt %add3A_7 : vector<1000x1xf32>
    %get3A_8 = arith.constant 0 : index
    %get3A_9 = arith.constant 0 : index
    %get3A_10 = vector.load %arg1[%get3A_8, %get3A_9] : memref<1000x128xf32, #tpu.memory_space<vmem>>, vector<1000x128xf32>
    %get3A_11 = arith.constant 0 : index
    %get3A_12 = arith.constant 0 : index
    %get3A_13 = vector.load %arg4[%get3A_11, %get3A_12] : memref<128x128xf32, #tpu.memory_space<vmem>>, vector<128x128xf32>
    %dot_general3A = arith.constant dense<0.000000e+00> : vector<1000x128xf32>
    %dot_general3A_14 = tpu.matmul %get3A_10, %get3A_13, %dot_general3A {dimension_numbers = #tpu.dot_dimension_numbers<[1], [0], [0], [1], [0, 0, 1, 1], [], []>, transpose_lhs_hint = false} : vector<1000x128xf32>, vector<128x128xf32>, vector<1000x128xf32> -> vector<1000x128xf32>
    %get3A_15 = arith.constant 0 : index
    %get3A_16 = arith.constant 0 : index
    %get3A_17 = vector.load %arg5[%get3A_15, %get3A_16] : memref<128x128xf32, #tpu.memory_space<vmem>>, vector<128x128xf32>
    %dot_general3A_18 = arith.constant dense<0.000000e+00> : vector<1000x128xf32>
    %dot_general3A_19 = tpu.matmul %dot_general3A_14, %get3A_17, %dot_general3A_18 {dimension_numbers = #tpu.dot_dimension_numbers<[1], [0], [0], [1], [0, 0, 1, 1], [], []>, transpose_lhs_hint = false} : vector<1000x128xf32>, vector<128x128xf32>, vector<1000x128xf32> -> vector<1000x128xf32>
    %mul3A = vector.broadcast %rsqrt3A : vector<1000x1xf32> to vector<1000x128xf32>
    %mul3A_20 = arith.mulf %dot_general3A_19, %mul3A : vector<1000x128xf32>
    %swap3A = arith.constant 0 : index
    %swap3A_21 = arith.constant 0 : index
    %swap3A_22 = vector.load %arg6[%swap3A, %swap3A_21] : memref<1000x128xf32, #tpu.memory_space<vmem>>, vector<1000x128xf32>
    tpu.vector_store %arg6[%swap3A, %swap3A_21], %mul3A_20 {strides = array<i32>} : memref<1000x128xf32, #tpu.memory_space<vmem>>, vector<1000x128xf32>,
    %swap3A_23 = arith.constant 0 : index
    %swap3A_24 = arith.constant 0 : index
    %swap3A_25 = vector.load %arg7[%swap3A_23, %swap3A_24] : memref<1000x1xf32, #tpu.memory_space<vmem>>, vector<1000x1xf32>
    tpu.vector_store %arg7[%swap3A_23, %swap3A_24], %rsqrt3A {strides = array<i32>} : memref<1000x1xf32, #tpu.memory_space<vmem>>, vector<1000x1xf32>,
    return
  }
  func.func @transform_0(%arg0: i32) -> (i32, i32) {
    %c0_i32 = arith.constant 0 : i32
    %c0_i32_0 = arith.constant 0 : i32
    return %arg0, %c0_i32 : i32, i32
  }
  func.func @transform_1(%arg0: i32) -> (i32, i32) {
    %c0_i32 = arith.constant 0 : i32
    %c0_i32_0 = arith.constant 0 : i32
    return %arg0, %c0_i32 : i32, i32
  }
  func.func @transform_2(%arg0: i32) -> (i32, i32) {
    %c0_i32 = arith.constant 0 : i32
    %c0_i32_0 = arith.constant 0 : i32
    return %arg0, %c0_i32 : i32, i32
  }
  func.func @transform_3(%arg0: i32) -> (i32, i32) {
    %c0_i32 = arith.constant 0 : i32
    %c0_i32_0 = arith.constant 0 : i32
    %c0_i32_1 = arith.constant 0 : i32
    return %c0_i32, %c0_i32_0 : i32, i32
  }
  func.func @transform_4(%arg0: i32) -> (i32, i32) {
    %c0_i32 = arith.constant 0 : i32
    %c0_i32_0 = arith.constant 0 : i32
    %c0_i32_1 = arith.constant 0 : i32
    return %c0_i32, %c0_i32_0 : i32, i32
  }
  func.func @transform_5(%arg0: i32) -> (i32, i32) {
    %c0_i32 = arith.constant 0 : i32
    %c0_i32_0 = arith.constant 0 : i32
    return %arg0, %c0_i32 : i32, i32
  }
  func.func @transform_6(%arg0: i32) -> (i32, i32) {
    %c0_i32 = arith.constant 0 : i32
    %c0_i32_0 = arith.constant 0 : i32
    return %arg0, %c0_i32 : i32, i32
  }
}

module attributes {stable_mosaic.version = 14 : i64} {
  func.func @body(%arg0: i32, %arg1: memref<1000x128xf32, #tpu.memory_space<vmem>>, %arg2: memref<1000x128xf32, #tpu.memory_space<vmem>>, %arg3: memref<1000x128xf32, #tpu.memory_space<vmem>>, %arg4: memref<1000x1xf32, #tpu.memory_space<vmem>>, %arg5: memref<128x128xf32, #tpu.memory_space<vmem>>, %arg6: memref<1x128xf32, #tpu.memory_space<vmem>>, %arg7: memref<1x128xf32, #tpu.memory_space<vmem>>, %arg8: memref<1000x128xf32, #tpu.memory_space<vmem>>) attributes {dimension_semantics = [#tpu.dimension_semantics<arbitrary>], iteration_bounds = array<i64: 10>, scalar_prefetch = 0 : i64, scratch_operands = 0 : i64, tpu.core_type = #tpu.core_type<tc>, window_params = [{transform_indices = @transform_0, window_bounds = array<i64: 1000, 128>}, {transform_indices = @transform_1, window_bounds = array<i64: 1000, 128>}, {transform_indices = @transform_2, window_bounds = array<i64: 1000, 128>}, {transform_indices = @transform_3, window_bounds = array<i64: 1000, 1>}, {pipeline_mode = #tpu.pipeline_mode<synchronous>, transform_indices = @transform_4, window_bounds = array<i64: 128, 128>}, {pipeline_mode = #tpu.pipeline_mode<synchronous>, transform_indices = @transform_5, window_bounds = array<i64: 1, 128>}, {pipeline_mode = #tpu.pipeline_mode<synchronous>, transform_indices = @transform_6, window_bounds = array<i64: 1, 128>}, {transform_indices = @transform_7, window_bounds = array<i64: 1000, 128>}]} {
    %get3A = arith.constant 0 : index
    %get3A_0 = arith.constant 0 : index
    %get3A_1 = vector.load %arg1[%get3A, %get3A_0] : memref<1000x128xf32, #tpu.memory_space<vmem>>, vector<1000x128xf32>
    %get3A_2 = arith.constant 0 : index
    %get3A_3 = arith.constant 0 : index
    %get3A_4 = vector.load %arg2[%get3A_2, %get3A_3] : memref<1000x128xf32, #tpu.memory_space<vmem>>, vector<1000x128xf32>
    %add3A = arith.addf %get3A_1, %get3A_4 : vector<1000x128xf32>
    %get3A_5 = arith.constant 0 : index
    %get3A_6 = arith.constant 0 : index
    %get3A_7 = vector.load %arg3[%get3A_5, %get3A_6] : memref<1000x128xf32, #tpu.memory_space<vmem>>, vector<1000x128xf32>
    %add3A_8 = arith.addf %add3A, %get3A_7 : vector<1000x128xf32>
    %get3A_9 = arith.constant 0 : index
    %get3A_10 = arith.constant 0 : index
    %get3A_11 = vector.load %arg6[%get3A_9, %get3A_10] : memref<1x128xf32, #tpu.memory_space<vmem>>, vector<1x128xf32>
    %get3A_12 = arith.constant 0 : index
    %get3A_13 = arith.constant 0 : index
    %get3A_14 = vector.load %arg5[%get3A_12, %get3A_13] : memref<128x128xf32, #tpu.memory_space<vmem>>, vector<128x128xf32>
    %dot_general3A = arith.constant dense<0.000000e+00> : vector<1x128xf32>
    %dot_general3A_15 = tpu.matmul %get3A_11, %get3A_14, %dot_general3A {dimension_numbers = #tpu.dot_dimension_numbers<[1], [0], [0], [1], [0, 0, 1, 1], [], []>, transpose_lhs_hint = false} : vector<1x128xf32>, vector<128x128xf32>, vector<1x128xf32> -> vector<1x128xf32>
    %get3A_16 = arith.constant 0 : index
    %get3A_17 = arith.constant 0 : index
    %get3A_18 = vector.load %arg7[%get3A_16, %get3A_17] : memref<1x128xf32, #tpu.memory_space<vmem>>, vector<1x128xf32>
    %add3A_19 = arith.addf %dot_general3A_15, %get3A_18 : vector<1x128xf32>
    %get3A_20 = arith.constant 0 : index
    %get3A_21 = arith.constant 0 : index
    %get3A_22 = vector.load %arg4[%get3A_20, %get3A_21] : memref<1000x1xf32, #tpu.memory_space<vmem>>, vector<1000x1xf32>
    %mul3A = vector.broadcast %get3A_22 : vector<1000x1xf32> to vector<1000x128xf32>
    %mul3A_23 = arith.mulf %add3A_8, %mul3A : vector<1000x128xf32>
    %add3A_24 = vector.broadcast %add3A_19 : vector<1x128xf32> to vector<1000x128xf32>
    %add3A_25 = arith.addf %mul3A_23, %add3A_24 : vector<1000x128xf32>
    %swap3A = arith.constant 0 : index
    %swap3A_26 = arith.constant 0 : index
    %swap3A_27 = vector.load %arg8[%swap3A, %swap3A_26] : memref<1000x128xf32, #tpu.memory_space<vmem>>, vector<1000x128xf32>
    tpu.vector_store %arg8[%swap3A, %swap3A_26], %add3A_25 {strides = array<i32>} : memref<1000x128xf32, #tpu.memory_space<vmem>>, vector<1000x128xf32>,
    return
  }
  func.func @transform_0(%arg0: i32) -> (i32, i32) {
    %c0_i32 = arith.constant 0 : i32
    %c0_i32_0 = arith.constant 0 : i32
    return %arg0, %c0_i32 : i32, i32
  }
  func.func @transform_1(%arg0: i32) -> (i32, i32) {
    %c0_i32 = arith.constant 0 : i32
    %c0_i32_0 = arith.constant 0 : i32
    return %arg0, %c0_i32 : i32, i32
  }
  func.func @transform_2(%arg0: i32) -> (i32, i32) {
    %c0_i32 = arith.constant 0 : i32
    %c0_i32_0 = arith.constant 0 : i32
    return %arg0, %c0_i32 : i32, i32
  }
  func.func @transform_3(%arg0: i32) -> (i32, i32) {
    %c0_i32 = arith.constant 0 : i32
    %c0_i32_0 = arith.constant 0 : i32
    return %arg0, %c0_i32 : i32, i32
  }
  func.func @transform_4(%arg0: i32) -> (i32, i32) {
    %c0_i32 = arith.constant 0 : i32
    %c0_i32_0 = arith.constant 0 : i32
    %c0_i32_1 = arith.constant 0 : i32
    return %c0_i32, %c0_i32_0 : i32, i32
  }
  func.func @transform_5(%arg0: i32) -> (i32, i32) {
    %c0_i32 = arith.constant 0 : i32
    %c0_i32_0 = arith.constant 0 : i32
    %c0_i32_1 = arith.constant 0 : i32
    return %c0_i32, %c0_i32_0 : i32, i32
  }
  func.func @transform_6(%arg0: i32) -> (i32, i32) {
    %c0_i32 = arith.constant 0 : i32
    %c0_i32_0 = arith.constant 0 : i32
    %c0_i32_1 = arith.constant 0 : i32
    return %c0_i32, %c0_i32_0 : i32, i32
  }
  func.func @transform_7(%arg0: i32) -> (i32, i32) {
    %c0_i32 = arith.constant 0 : i32
    %c0_i32_0 = arith.constant 0 : i32
    return %arg0, %c0_i32 : i32, i32
  }
}

</mosaic_0001>

<sc_bundles>
// kernel: kernel.6.cloned.1.call-start
scs
__scs_entry_jumppad:
0x0: {  	(pc) =	sbr.rel $0x88, $3  }
0x1: {  	(tag) =	ssettag $0x0;
	lr =	simm.s32 $0x1  }
0x2: {  	[smem:$0x3F9B] =	sst lr;
	_ =	strace $0xD0000000  }
0x3: {  	_ = 	snop  }
0x4: {  	_ = 	snop  }
0x5: {  	_ = 	snop  }
0x6: {  	_ = 	snop  }
0x7: {  	_ = 	snop  }
__scs_overlays_trampoline_lowered:
0x8: {  	[smem:$0x3FAA] =	sst s0  }
0x9: {  	[smem:$0x3FAB] =	sst s1  }
0xa: {  	[smem:$0x3FAC] =	sst s2  }
0xb: {  	[smem:$0x3FAD] =	sst s3  }
0xc: {  	[smem:$0x3FAE] =	sst s4  }
0xd: {  	[smem:$0x3FAF] =	sst s5  }
0xe: {  	[smem:$0x3FB0] =	sst s6  }
0xf: {  	[smem:$0x3FB1] =	sst s7  }
0x10: {  	[smem:$0x3FB2] =	sst s8  }
0x11: {  	[smem:$0x3FB3] =	sst s9;
	s0 =	simm.s32 @!p0 $0x0  }
0x12: {  	s1 =	sld [smem:$0x3F99];
	s0 =	simm.s32 @p0 $0x1  }
0x13: {  	[smem:$0x3FB4] =	sst s0;
	s0 =	simm.s32 @!p1 $0x0  }
0x14: {  	s2 =	sld [smem:$0x3F98];
	s0 =	simm.s32 @p1 $0x1  }
0x15: {  	[smem:$0x3FB5] =	sst s0;
	s0 =	simm.s32 @!p2 $0x0  }
0x16: {  	s3 =	sld [smem:$0x3FDB];
	s0 =	simm.s32 @p2 $0x1  }
0x17: {  	s4 =	simm.s32 $0x1BF5;
	[smem:$0x3FB7] =	sst s0  }
0x18: {  	s0 =	sld [smem:$0x3F9A];
	_ =	swait.ge [sflag:s4], $0x0  }
0x19: {  	s7 =	sld [smem:$0x3F9B]  }
0x1a: {  	s8 =	sadd.s32 $0xFFFFE003, lr  }
0x1b: {  	s9 =	sadd.s32 $0xFFFFFEF7, lr;
	s5 =	simm.s32 $0xFFFFFFFF;
	p2 =	slt.u32 s8, $0xFFFFF086  }
0x1c: {  	p1 =	slt.u32 s9, $0xF7A;
	s5 =	simm.s32 @!p2 $0x0  }
0x1d: {  	s5 =	simm.s32 @p1 $0x1;
	p0 =	seq.s32 s7, s2  }
0x1e: {  	s7 =	smul.u32 @!p0 $0xF7A, s2;
	p2 =	seq.s32 @!p0 s5, $0x0  }
0x1f: {  	s9 =	smul.u32 $0xF7A, s1;
	s8 =	simm.s32 @!p0 $0x1BF5;
	p2 =	por !p2, p0  }
0x20: {  	[sflag:s8] =	ssyncset.s32 @!p0 $0xFFFFF086;
	s6 =	sadd.s32 @!p0 s3, s7;
	s7 =	simm.s32 @!p0 $0x108  }
0x21: {  	s3 =	sadd.s32 s3, s9;
	s6 =	sadd.s32 @!p0 $0x88, s6;
	s7 =	simm.s32 @p2 $0x1082  }
0x22: {  	[simem:s7], [sflag:s8] =	dma.local @!p0 [hbm:s6], $0xF7A  }
0x23: {  	s9 =	sor.u32 $0xD0000000, s2;
	s6 =	simm.s32 $0x108;
	_ =	swait.ge @!p0 [sflag:s8], $0x0  }
0x24: {  	s3 =	sadd.s32 $0x88, s3;
	s6 =	simm.s32 @!p1 $0x1082;
	[sflag:s4] =	ssyncset.s32 $0xFFFFF086  }
0x25: {  	[simem:s6], [sflag:s4] =	dma.local [hbm:s3], $0xF7A  }
0x26: {  	[smem:$0x3F9B] =	sst s1;
	(tag) =	ssettag s2;
	_ =	strace s9  }
0x27: {  	s1 =	sld [smem:$0x3FAB]  }
0x28: {  	s2 =	sld [smem:$0x3FAC]  }
0x29: {  	s4 =	sld [smem:$0x3FAE]  }
0x2a: {  	p0 =	seq.s32 s5, $0x0;
	s5 =	sld [smem:$0x3FAF]  }
0x2b: {  	s6 =	sld [smem:$0x3FB0]  }
0x2c: {  	s7 =	sld [smem:$0x3FB1]  }
0x2d: {  	s3 =	simm.s32 $0x108;
	s8 =	sld [smem:$0x3FB2]  }
0x2e: {  	s3 =	simm.s32 @!p0 $0x1082;
	s9 =	sld [smem:$0x3FB3]  }
0x2f: {  	lr =	sadd.s32 s0, s3;
	s0 =	sld [smem:$0x3FAA]  }
0x30: {  	s3 =	sld [smem:$0x3FAD]  }
0x31: {  	[smem:$0x3FB6] =	sst s10  }
0x32: {  	s10 =	sld [smem:$0x3FB4];
	_ =	sdelay $0x3  }
0x33: {  	p0 =	seq.s32 s10, $0x1;
	s10 =	sld [smem:$0x3FB6];
	_ =	sdelay $0x3  }
0x34: {  	[smem:$0x3FB6] =	sst s10  }
0x35: {  	s10 =	sld [smem:$0x3FB5];
	_ =	sdelay $0x3  }
0x36: {  	p1 =	seq.s32 s10, $0x1;
	s10 =	sld [smem:$0x3FB6];
	_ =	sdelay $0x3  }
0x37: {  	[smem:$0x3FB6] =	sst s10  }
0x38: {  	s10 =	sld [smem:$0x3FB7]  }
0x39: {  	_ = 	snop;
	(pc) =	sbr.ind lr, $3  }
0x3a: {  	_ = 	snop  }
0x3b: {  	_ = 	snop  }
0x3c: {  	p2 =	seq.s32 s10, $0x1;
	s10 =	sld [smem:$0x3FB6]  }
0x3d: {  	_ =	shalt  }
0x3e: {  	_ =	shalt  }
0x3f: {  	_ =	shalt  }
0x40: {  	_ =	shalt  }
0x41: {  	_ =	shalt  }
0x42: {  	_ =	shalt  }
0x43: {  	_ =	shalt  }
0x44: {  	_ =	shalt  }
0x45: {  	_ =	shalt  }
0x46: {  	_ =	shalt  }
0x47: {  	_ =	shalt  }
0x48: {  	_ =	shalt  }
0x49: {  	_ =	shalt  }
0x4a: {  	_ =	shalt  }
0x4b: {  	_ =	shalt  }
0x4c: {  	_ =	shalt  }
0x4d: {  	_ =	shalt  }
0x4e: {  	_ =	shalt  }
0x4f: {  	_ =	shalt  }
0x50: {  	_ =	shalt  }
0x51: {  	_ =	shalt  }
0x52: {  	_ =	shalt  }
0x53: {  	_ =	shalt  }
0x54: {  	_ =	shalt  }
0x55: {  	_ =	shalt  }
0x56: {  	_ =	shalt  }
0x57: {  	_ =	shalt  }
0x58: {  	_ =	shalt  }
0x59: {  	_ =	shalt  }
0x5a: {  	_ =	shalt  }
0x5b: {  	_ =	shalt  }
0x5c: {  	_ =	shalt  }
0x5d: {  	_ =	shalt  }
0x5e: {  	_ =	shalt  }
0x5f: {  	_ =	shalt  }
0x60: {  	_ =	shalt  }
0x61: {  	_ =	shalt  }
0x62: {  	_ =	shalt  }
0x63: {  	_ =	shalt  }
0x64: {  	_ =	shalt  }
0x65: {  	_ =	shalt  }
0x66: {  	_ =	shalt  }
0x67: {  	_ =	shalt  }
0x68: {  	_ =	shalt  }
0x69: {  	_ =	shalt  }
0x6a: {  	_ =	shalt  }
0x6b: {  	_ =	shalt  }
0x6c: {  	_ =	shalt  }
0x6d: {  	_ =	shalt  }
0x6e: {  	_ =	shalt  }
0x6f: {  	_ =	shalt  }
0x70: {  	_ =	shalt  }
0x71: {  	_ =	shalt  }
0x72: {  	_ =	shalt  }
0x73: {  	_ =	shalt  }
0x74: {  	_ =	shalt  }
0x75: {  	_ =	shalt  }
0x76: {  	_ =	shalt  }
0x77: {  	_ =	shalt  }
0x78: {  	_ =	shalt  }
0x79: {  	_ =	shalt  }
0x7a: {  	_ =	shalt  }
0x7b: {  	_ =	shalt  }
0x7c: {  	_ =	shalt  }
0x7d: {  	_ =	shalt  }
0x7e: {  	_ =	shalt  }
0x7f: {  	_ =	shalt  }
0x80: {  	_ =	shalt  }
0x81: {  	_ =	shalt  }
0x82: {  	_ =	shalt  }
0x83: {  	_ =	shalt  }
0x84: {  	_ =	shalt  }
0x85: {  	_ =	shalt  }
0x86: {  	_ =	shalt  }
0x87: {  	_ =	shalt  }
.Lfunc_end0:
.L_simem_size_0:
called_computation_lowered:
.L_overlay_start_0:
0x88: {  	s2 =	sld [smem:$0x3FD9]  }
0x89: {  	s3 =	sld [smem:$0x3FFE];
	_ =	sdelay $0x1  }
0x8a: {  	s1 =	srdreg.scid  }
0x8b: {  	s0 =	sand.u32 $0x1, s1  }
0x8c: {  	s17 =	sshll.u32 s0, $0xA;
	s2 =	sadd.s32 s3, s2  }
0x8d: {  	s2 =	sadd.s32 s2, s17  }
0x8e: {  	[smem:$0x3FC2] =	sst s2  }
0x8f: {  	_ = 	snop  }
0x90: {  	s2 =	sld [smem:$0x3FD0];
	(tm) =	ssettm $0x1  }
0x91: {  	s18 =	sld [smem:$0x3FFB];
	_ =	sdelay $0x3  }
0x92: {  	_ =	strace s18  }
0x93: {  	s3 =	sld [smem:$0x3FFC];
	_ =	sdelay $0x3  }
0x94: {  	_ =	strace s3  }
0x95: {  	s3 =	sld [smem:$0x3FFD];
	_ =	sdelay $0x3  }
0x96: {  	_ =	strace s3  }
0x97: {  	_ =	strace $0x8FFFFFFF  }
0x98: {  	s19 =	sld [smem:$0x3FDB];
	_ =	sdelay $0x1  }
0x99: {  	s4 =	simm.s32 $_scs_section_size  }
0x9a: {  	s5 =	simm.s32 $_size__tile_overlayer_lowered;
	s6 =	simm.s32 $_tile_overlayer_lowered  }
0x9b: {  	s22 =	simm.s32 $0x1BFF;
	s21 =	sshll.u32 s6, $0x1;
	s3 =	sadd.s32 s4, s19  }
0x9c: {  	s7 =	simm.s32 $0x0;
	s20 =	sshll.u32 s5, $0x1;
	s5 =	sadd.s32 s21, s3  }
0x9d: {  	[timem:s7], [sflag:s22] =	dma.local [hbm:s5], s20  }
0x9e: {  	_ =	swait.ge [sflag:s22], s20  }
0x9f: {  	s4 =	ssub.s32 $0x0, s20;
	[sflag:s22] =	ssyncset.done $0x0  }
0xa0: {  	[sflag:s22] =	ssyncadd.s32 s4;
	_ =	sdelay $0x1  }
0xa1: {  	s23 =	simm.s32 $0x1B8B  }
0xa2: {  	_ =	swait.ge [sflag:s23], $0x1  }
0xa3: {  	[sflag:s23] =	ssyncset.done $0x0  }
0xa4: {  	s25 =	simm.s32 $0x1B8E;
	s24 =	sld [smem:$0x3FFE];
	[sflag:s23] =	ssyncadd.s32 $0xFFFFFFFF  }
0xa5: {  	s26 =	simm.s32 $execute0_lowered;
	[smem:$0x3FD2] =	sst s25  }
0xa6: {  	s5 =	sshll.u32 s26, $0x1;
	_ =	strace $0x80000046;
	[dreg:$0x1] =	wrdreg $0xFFFFFFFF  }
0xa7: {  	s28 =	simm.s32 $_size_execute0_lowered;
	s3 =	sadd.s32 s3, s5;
	[dreg:$0x0] =	wrdreg $0x0  }
0xa8: {  	s5 =	sshll.u32 s28, $0x1;
	[dreg:$0x2] =	wrdreg s3  }
0xa9: {  	[dreg:$0x3] =	wrdreg s5  }
0xaa: {  	[dreg:$0x4] =	wrdreg $0xC0  }
0xab: {  	_ =	task [dreg:s7], $0x5FFFF  }
0xac: {  	[dreg:$0x1] =	wrdreg $0xFFFFFFFF  }
0xad: {  	[dreg:$0x0] =	wrdreg $0x60  }
0xae: {  	[dreg:$0x2] =	wrdreg s24  }
0xaf: {  	[dreg:$0x3] =	wrdreg s2  }
0xb0: {  	[dreg:$0x4] =	wrdreg $0x50800  }
0xb1: {  	[dreg:$0x5] =	wrdreg $0x9  }
0xb2: {  	_ =	task.clear_ibuf [dreg:s7], $0x6FFFF;
	_ =	strace $0x90000046  }
0xb3: {  	s29 =	simm.s32 $0x9;
	_ =	strace $0x80000048  }
0xb4: {  	_ =	swait.ge [sflag:s29], $0x1  }
0xb5: {  	[sflag:s29] =	ssyncadd.s32 $0xFFFFFFFF  }
0xb6: {  	_ =	strace $0x90000048  }
0xb7: {  	_ =	sfence  }
0xb8: {  	s30 =	sld [smem:$0x0];
	_ =	sdelay $0x2  }
0xb9: {  	s31 =	sshll.u32 s1, $0xD;
	s1 =	sshrl.u32 s1, $0x2  }
0xba: {  	s3 =	sand.u32 $0x4000, s31;
	s1 =	sadd.s32 s1, s30  }
0xbb: {  	s0 =	sor.u32 s3, s0;
	s1 =	sshll.u32 s1, $0x11  }
0xbc: {  	s0 =	sor.u32 s1, s0  }
0xbd: {  	s0 =	sadd.s32 $0x8F2B, s0  }
0xbe: {  	[sflag:s0] =	ssyncadd.remote.s32 $0x1  }
0xbf: {  	_ =	sfence.sel $0xFFFF  }
0xc0: {  	[dreg:$0x0] =	wrdreg $0xFFFFFFFF;
	(pc) =	sbr.abs _section_cstart, $3  }
0xc1: {  	[dreg:$0x1] =	wrdreg $0xFFFFFFFF  }
0xc2: {  	_ =	task.clear_ibuf [dreg:s7], $0x2FFFF;
	_ =	strace $0x9FFFFFFF  }
0xc3: {  	(tm) =	ssettm $0x7FFFFFFF  }
tec
execute0_lowered:
.L_overlay_start_1:
0x0: {  	(tag) =	ssettag $0x1  }
0x1: {  	s3 =	rddreg [dreg:$0x0]  }
0x2: {  	s5 =	rddreg [dreg:$0x1];
	s0 =	srdreg.scid  }
0x3: {  	s7 =	stileid.u32;
	s1 =	rddreg [dreg:$0x2]  }
0x4: {  	s2 =	simm.s32 $0x0;
	s11 =	simm.s32 $0x5000;
	s12 =	simm.s32 $0x0  }
0x5: {  	s4 =	sand.u32 $0x1, s0;
	s6 =	sshll.u32 s7, $0x1;
	s0 =	rddreg [dreg:$0x3]  }
0x6: {  	[smem:$0x7FF] =	sst s2;
	p0 =	sne.s32 s7, $0x0;
	s7 =	simm.s32 $0x1  }
0x7: {  	s6 =	sor.u32 s4, s6;
	s8 =	ssub.s32 $0x2, s4;
	s10 =	smul.u32 $0x500, s4  }
0x8: {  	_ =	strace $0x80000047;
	s6 =	smul.u32 $0x500, s6;
	s9 =	sshrl.u32 s8, $0x1  }
0x9: {  	v0 =	vimm.f32 $0.0e+00;
	v1 =	vlaneseq.u32;
	s8 =	ssub.s32 s8, s9;
	s5 =	sadd.s32 s5, s10;
	s9 =	simm.s32 $0x2800  }
0xa: {  	v6 =	vimm.s32 $0x0;
	v7 =	vimm.f32 $1.000000000e+00;
	v2 =	vor.u32 $0x10, v1;
	s10 =	simm.s32 $0x50;
	s6 =	sadd.s32 s6, s3;
	s3 =	sadd.s32 $0xBA00, s3  }
0xb: {  	v3 =	vor.u32 $0x20, v1;
	v4 =	vor.u32 $0x30, v1;
	v5 =	vor.u32 $0x40, v1;
	s4 =	sadd.s32 $0x1A00, s6;
	s6 =	smax.u32 s8, $0x1;
	s8 =	sshrl.u32 @!p0 s1, $0x3  }
.LBB2_1:
0xc: {  	[tilespmem:s2], [sflag:$0x1] =	stream.linear.gather [hbm4b:s4+s2], $0x2780, $0x38;
	[tilespmem:$0x5300] =	vst v63  }
0xd: {  	_ =	swait.ge [sflag:s7], $0x2780  }
0xe: {  	[sflag:s7] =	ssyncset.done $0x0  }
0xf: {  	s13 =	simm.s32 $0x0;
	s14 =	simm.s32 $0x200;
	[sflag:s7] =	ssyncadd.s32 $0xFFFFD880  }
.LBB2_2:
0x10: {  	p1 =	sne.s32 s14, $0x9E00;
	[tilespmem:s13+$0x2870] =	vst v0  }
0x11: {  	[tilespmem:s13+$0x2800] =	vst v0  }
0x12: {  	[tilespmem:s13+$0x2810] =	vst v0  }
.Ltmp0:
0x13: {  	[tilespmem:s13+$0x2820] =	vst v0;
	(pc) =	sbr.rel @p1 .LBB2_2-.Ltmp0, $4  }
0x14: {  	[tilespmem:s13+$0x2830] =	vst v0  }
0x15: {  	[tilespmem:s13+$0x2840] =	vst v0  }
0x16: {  	[tilespmem:s13+$0x2850] =	vst v0  }
0x17: {  	[tilespmem:s13+$0x2860] =	vst v0;
	s13 =	sshra.s32 s14, $0x2;
	s14 =	sadd.s32 $0x200, s14  }
0x18: {  	[tilespmem:s13+$0x2870] =	vst v0  }
0x19: {  	[tilespmem:s13+$0x2800] =	vst v0  }
0x1a: {  	[tilespmem:s13+$0x2810] =	vst v0  }
0x1b: {  	[tilespmem:s13+$0x2820] =	vst v0  }
0x1c: {  	[tilespmem:s13+$0x2830] =	vst v0  }
0x1d: {  	[tilespmem:s13+$0x2840] =	vst v0  }
0x1e: {  	[tilespmem:s13+$0x2850] =	vst v0  }
0x1f: {  	[tilespmem:s13+$0x2860] =	vst v0;
	s13 =	simm.s32 @!p0 $0x1C01  }
0x20: {  	[spmem:s8], [sflag:s13] =	dma.local @!p0 [hbm:s3], $0x500  }
0x21: {  	s13 =	simm.s32 @!p0 $0x1  }
0x22: {  	_ =	swait.ge @!p0 [sflag:s13], $0x500  }
0x23: {  	[sflag:s13] =	ssyncset.done @!p0 $0x0  }
0x24: {  	[sflag:s13] =	ssyncadd.s32 @!p0 $0xFFFFFB00  }
0x25: {  	[tilespmem:$0x5000] =	vst v1  }
0x26: {  	[tilespmem:$0x5010] =	vst v2  }
0x27: {  	[tilespmem:$0x5020] =	vst v3  }
0x28: {  	[tilespmem:$0x5030] =	vst v4  }
0x29: {  	s13 =	simm.s32 $0x0;
	[tilespmem:$0x5040] =	vst v5  }
.LBB2_4:
0x2a: {  	s14 =	sshra.s32 s13, $0x2  }
0x2b: {  	v8 =	vld [tilespmem:s14+$0x0];
	_ =	sdelay $0x4  }
0x2c: {  	v9 =	vshra.s32 v8, $0x1F  }
0x2d: {  	v9 =	vshrl.u32 v9, $0x19  }
0x2e: {  	v9 =	vadd.s32 v9, v8  }
0x2f: {  	v9 =	vshra.s32 v9, $0x7  }
0x30: {  	v10 =	vshll.u32 v9, $0x7  }
0x31: {  	vm0 =	vlt.s32 v8, $0x1;
	vm1 =	vne.s32 v8, v10  }
0x32: {  	vm0 =	vmand vm0, vm1  }
0x33: {  	v42 =	vsel vm0, $0xFFFFFFFF, v6  }
0x34: {  	v9 =	vadd.s32 v42, v9  }
0x35: {  	v8 =	vand.u32 $0x7F, v8;
	v9 =	vshll.u32 v9, $0x7  }
0x36: {  	v8 =	vor.u32 v8, v9;
	_ =	sdelay $0x4  }
0x37: {  	[tilespmem:v8+s9+$0x0] =	vst.idx.add.f32.msk $0xffff, v7  }
0x38: {  	v8 =	vld [tilespmem:s14+$0x10];
	_ =	sdelay $0x4  }
0x39: {  	v43 =	vshra.s32 v8, $0x1F  }
0x3a: {  	v9 =	vshrl.u32 v43, $0x19  }
0x3b: {  	v9 =	vadd.s32 v9, v8  }
0x3c: {  	v44 =	vand.u32 $0xFFFFFF80, v9  }
0x3d: {  	vm14 =	vlt.s32 v8, $0x1;
	vm15 =	vne.s32 v8, v44  }
0x3e: {  	vm0 =	vmand vm14, vm15  }
0x3f: {  	v9 =	vshrl.u32 v9, $0x7;
	v45 =	vsel vm0, $0xFFFFFFFF, v6  }
0x40: {  	v9 =	vadd.s32 v45, v9  }
0x41: {  	v8 =	vand.u32 $0x7F, v8;
	v9 =	vshll.u32 v9, $0x7  }
0x42: {  	v8 =	vor.u32 v8, v9;
	_ =	sdelay $0x4  }
0x43: {  	[tilespmem:v8+s9+$0x0] =	vst.idx.add.f32.msk $0xffff, v7  }
0x44: {  	v8 =	vld [tilespmem:s14+$0x20];
	_ =	sdelay $0x4  }
0x45: {  	v46 =	vshra.s32 v8, $0x1F  }
0x46: {  	v9 =	vshrl.u32 v46, $0x19  }
0x47: {  	v9 =	vadd.s32 v9, v8  }
0x48: {  	v47 =	vand.u32 $0xFFFFFF80, v9  }
0x49: {  	vm4 =	vlt.s32 v8, $0x1;
	vm5 =	vne.s32 v8, v47  }
0x4a: {  	vm0 =	vmand vm4, vm5  }
0x4b: {  	v9 =	vshrl.u32 v9, $0x7;
	v48 =	vsel vm0, $0xFFFFFFFF, v6  }
0x4c: {  	v9 =	vadd.s32 v48, v9  }
0x4d: {  	v8 =	vand.u32 $0x7F, v8;
	v9 =	vshll.u32 v9, $0x7  }
0x4e: {  	v8 =	vor.u32 v8, v9;
	_ =	sdelay $0x4  }
0x4f: {  	[tilespmem:v8+s9+$0x0] =	vst.idx.add.f32.msk $0xffff, v7  }
0x50: {  	v8 =	vld [tilespmem:s14+$0x30];
	_ =	sdelay $0x4  }
0x51: {  	v49 =	vshra.s32 v8, $0x1F  }
0x52: {  	v9 =	vshrl.u32 v49, $0x19  }
0x53: {  	v9 =	vadd.s32 v9, v8  }
0x54: {  	v50 =	vand.u32 $0xFFFFFF80, v9  }
0x55: {  	vm6 =	vlt.s32 v8, $0x1;
	vm7 =	vne.s32 v8, v50  }
0x56: {  	vm0 =	vmand vm6, vm7  }
0x57: {  	v9 =	vshrl.u32 v9, $0x7;
	v51 =	vsel vm0, $0xFFFFFFFF, v6  }
0x58: {  	v9 =	vadd.s32 v51, v9  }
0x59: {  	v8 =	vand.u32 $0x7F, v8;
	v9 =	vshll.u32 v9, $0x7  }
0x5a: {  	v8 =	vor.u32 v8, v9;
	_ =	sdelay $0x4  }
0x5b: {  	[tilespmem:v8+s9+$0x0] =	vst.idx.add.f32.msk $0xffff, v7  }
0x5c: {  	v8 =	vld [tilespmem:s14+$0x40];
	_ =	sdelay $0x4  }
0x5d: {  	v52 =	vshra.s32 v8, $0x1F  }
0x5e: {  	v9 =	vshrl.u32 v52, $0x19  }
0x5f: {  	v9 =	vadd.s32 v9, v8  }
0x60: {  	v53 =	vand.u32 $0xFFFFFF80, v9  }
0x61: {  	vm8 =	vlt.s32 v8, $0x1;
	vm9 =	vne.s32 v8, v53  }
0x62: {  	vm0 =	vmand vm8, vm9  }
0x63: {  	v9 =	vshrl.u32 v9, $0x7;
	v54 =	vsel vm0, $0xFFFFFFFF, v6  }
0x64: {  	v9 =	vadd.s32 v54, v9  }
0x65: {  	v8 =	vand.u32 $0x7F, v8;
	v9 =	vshll.u32 v9, $0x7  }
0x66: {  	v8 =	vor.u32 v8, v9;
	_ =	sdelay $0x4  }
0x67: {  	[tilespmem:v8+s9+$0x0] =	vst.idx.add.f32.msk $0xffff, v7  }
0x68: {  	v8 =	vld [tilespmem:s14+$0x50];
	_ =	sdelay $0x4  }
0x69: {  	v55 =	vshra.s32 v8, $0x1F  }
0x6a: {  	v9 =	vshrl.u32 v55, $0x19  }
0x6b: {  	v9 =	vadd.s32 v9, v8  }
0x6c: {  	v56 =	vand.u32 $0xFFFFFF80, v9  }
0x6d: {  	vm10 =	vlt.s32 v8, $0x1;
	vm11 =	vne.s32 v8, v56  }
0x6e: {  	vm0 =	vmand vm10, vm11  }
0x6f: {  	v9 =	vshrl.u32 v9, $0x7;
	v57 =	vsel vm0, $0xFFFFFFFF, v6  }
0x70: {  	v9 =	vadd.s32 v57, v9  }
0x71: {  	v8 =	vand.u32 $0x7F, v8;
	v9 =	vshll.u32 v9, $0x7  }
0x72: {  	v8 =	vor.u32 v8, v9;
	_ =	sdelay $0x4  }
0x73: {  	[tilespmem:v8+s9+$0x0] =	vst.idx.add.f32.msk $0xffff, v7  }
0x74: {  	v8 =	vld [tilespmem:s14+$0x60];
	_ =	sdelay $0x4  }
0x75: {  	v58 =	vshra.s32 v8, $0x1F  }
0x76: {  	v9 =	vshrl.u32 v58, $0x19  }
0x77: {  	v9 =	vadd.s32 v9, v8  }
0x78: {  	v59 =	vand.u32 $0xFFFFFF80, v9  }
0x79: {  	vm12 =	vlt.s32 v8, $0x1;
	vm13 =	vne.s32 v8, v59  }
0x7a: {  	vm0 =	vmand vm12, vm13  }
0x7b: {  	v9 =	vshrl.u32 v9, $0x7;
	v60 =	vsel vm0, $0xFFFFFFFF, v6  }
0x7c: {  	v9 =	vadd.s32 v60, v9  }
0x7d: {  	v8 =	vand.u32 $0x7F, v8;
	v9 =	vshll.u32 v9, $0x7  }
0x7e: {  	v8 =	vor.u32 v8, v9;
	_ =	sdelay $0x4  }
0x7f: {  	[tilespmem:v8+s9+$0x0] =	vst.idx.add.f32.msk $0xffff, v7  }
0x80: {  	v8 =	vld [tilespmem:s14+$0x70];
	_ =	sdelay $0x4  }
0x81: {  	v61 =	vshra.s32 v8, $0x1F  }
0x82: {  	v9 =	vshrl.u32 v61, $0x19  }
0x83: {  	v9 =	vadd.s32 v9, v8  }
0x84: {  	v62 =	vand.u32 $0xFFFFFF80, v9  }
0x85: {  	vm14 =	vlt.s32 v8, $0x1;
	vm15 =	vne.s32 v8, v62  }
0x86: {  	vm0 =	vmand vm14, vm15  }
0x87: {  	v9 =	vshrl.u32 v9, $0x7;
	v63 =	vsel vm0, $0xFFFFFFFF, v6  }
0x88: {  	v9 =	vadd.s32 v63, v9  }
0x89: {  	v8 =	vand.u32 $0x7F, v8;
	v9 =	vshll.u32 v9, $0x7  }
0x8a: {  	p1 =	sne.s32 s13, $0x9C00;
	v8 =	vor.u32 v8, v9  }
.Ltmp1:
0x8b: {  	_ = 	snop;
	(pc) =	sbr.rel @p1 .LBB2_4-.Ltmp1, $2  }
0x8c: {  	_ =	sdelay $0x2  }
0x8d: {  	s13 =	sadd.s32 $0x200, s13;
	[tilespmem:v8+s9+$0x0] =	vst.idx.add.f32.msk $0xffff, v7  }
0x8e: {  	[bflag:$0x0] =	sbarrier.arrive $0xFFFF  }
0x8f: {  	[spmem:s1] =	stream.indirect.scatter.add.f32 [tilespmem:s9], [sflag:$0x1], $0x80, s11, s10, $0xb8;
	[tilespmem:$0x5300] =	vst v63  }
0x90: {  	_ =	swait.ge [sflag:s7], $0x2800  }
0x91: {  	[sflag:s7] =	ssyncset.done $0x0  }
0x92: {  	s12 =	sadd.s32 $0x1, s12;
	[sflag:s7] =	ssyncadd.s32 $0xFFFFD800  }
0x93: {  	s13 =	simm.s32 @!p0 $0x1C01;
	p1 =	sne.s32 s12, s6;
	[bflag:$0x0] =	sbarrier.arrive $0xFFFF  }
0x94: {  	[hbm:s5], [sflag:s13] =	dma.local @!p0 [spmem:s8], $0x500  }
.Ltmp2:
0x95: {  	_ = 	snop;
	(pc) =	sbr.rel @p1 .LBB2_1-.Ltmp2, $4  }
0x96: {  	s13 =	simm.s32 @!p0 $0x1  }
0x97: {  	_ =	swait.ge @!p0 [sflag:s13], $0x500  }
0x98: {  	[sflag:s13] =	ssyncset.done @!p0 $0x0  }
0x99: {  	[sflag:s13] =	ssyncadd.s32 @!p0 $0xFFFFFB00  }
0x9a: {  	_ =	sfence.sel $0x180000  }
0x9b: {  	[bflag:$0x0] =	sbarrier.arrive $0xFFFF  }
0x9c: {  	_ =	strace $0x90000047  }
0x9d: {  	s0 =	sadd.s32 @!p0 $0x100000, s0;
	[bflag:$0x2] =	sbarrier.arrive $0xFFFF  }
0x9e: {  	[sflag:s0] =	ssyncadd.tile.s32 @!p0 $0x1;
	_ =	shalt  }
.Lfunc_end2:
_tile_overlayer_lowered:
.L_overlay_start_2:
0x9f: {  	(tag) =	ssettag $0x2  }
0xa0: {  	s0 =	rddreg [dreg:$0x0];
	s2 =	stileid.u32  }
0xa1: {  	s1 =	rddreg [dreg:$0x1];
	p0 =	sne.s32 s2, $0x0  }
0xa2: {  	s3 =	rddreg [dreg:$0x2];
	[bflag:$0x3] =	sbarrier.arrive $0xFFFF;
	s2 =	simm.s32 @!p0 $0x1C01  }
0xa3: {  	[timem:s3], [sflag:s2] =	dma.local @!p0 [hbm:s0], s1  }
0xa4: {  	s0 =	simm.s32 @!p0 $0x1  }
0xa5: {  	_ =	swait.ge @!p0 [sflag:s0], s1  }
0xa6: {  	s1 =	ssub.s32 @!p0 $0x0, s1;
	[sflag:s0] =	ssyncset.done @!p0 $0x0  }
0xa7: {  	[sflag:s0] =	ssyncadd.s32 @!p0 s1  }
0xa8: {  	[bflag:$0x3] =	sbarrier.arrive $0xFFFF  }
0xa9: {  	_ =	shalt  }

// kernel: kernel.9.cloned.1.call-start
scs
__scs_entry_jumppad:
0x0: {  	(pc) =	sbr.rel $0x88, $3  }
0x1: {  	(tag) =	ssettag $0x0;
	lr =	simm.s32 $0x1  }
0x2: {  	[smem:$0x3F9B] =	sst lr;
	_ =	strace $0xD0000000  }
0x3: {  	_ = 	snop  }
0x4: {  	_ = 	snop  }
0x5: {  	_ = 	snop  }
0x6: {  	_ = 	snop  }
0x7: {  	_ = 	snop  }
__scs_overlays_trampoline_lowered:
0x8: {  	[smem:$0x3FAA] =	sst s0  }
0x9: {  	[smem:$0x3FAB] =	sst s1  }
0xa: {  	[smem:$0x3FAC] =	sst s2  }
0xb: {  	[smem:$0x3FAD] =	sst s3  }
0xc: {  	[smem:$0x3FAE] =	sst s4  }
0xd: {  	[smem:$0x3FAF] =	sst s5  }
0xe: {  	[smem:$0x3FB0] =	sst s6  }
0xf: {  	[smem:$0x3FB1] =	sst s7  }
0x10: {  	[smem:$0x3FB2] =	sst s8  }
0x11: {  	[smem:$0x3FB3] =	sst s9;
	s0 =	simm.s32 @!p0 $0x0  }
0x12: {  	s1 =	sld [smem:$0x3F99];
	s0 =	simm.s32 @p0 $0x1  }
0x13: {  	[smem:$0x3FB4] =	sst s0;
	s0 =	simm.s32 @!p1 $0x0  }
0x14: {  	s2 =	sld [smem:$0x3F98];
	s0 =	simm.s32 @p1 $0x1  }
0x15: {  	[smem:$0x3FB5] =	sst s0;
	s0 =	simm.s32 @!p2 $0x0  }
0x16: {  	s3 =	sld [smem:$0x3FDB];
	s0 =	simm.s32 @p2 $0x1  }
0x17: {  	s4 =	simm.s32 $0x1BF5;
	[smem:$0x3FB7] =	sst s0  }
0x18: {  	s0 =	sld [smem:$0x3F9A];
	_ =	swait.ge [sflag:s4], $0x0  }
0x19: {  	s7 =	sld [smem:$0x3F9B]  }
0x1a: {  	s8 =	sadd.s32 $0xFFFFE003, lr  }
0x1b: {  	s9 =	sadd.s32 $0xFFFFFEF7, lr;
	s5 =	simm.s32 $0xFFFFFFFF;
	p2 =	slt.u32 s8, $0xFFFFF086  }
0x1c: {  	p1 =	slt.u32 s9, $0xF7A;
	s5 =	simm.s32 @!p2 $0x0  }
0x1d: {  	s5 =	simm.s32 @p1 $0x1;
	p0 =	seq.s32 s7, s2  }
0x1e: {  	s7 =	smul.u32 @!p0 $0xF7A, s2;
	p2 =	seq.s32 @!p0 s5, $0x0  }
0x1f: {  	s9 =	smul.u32 $0xF7A, s1;
	s8 =	simm.s32 @!p0 $0x1BF5;
	p2 =	por !p2, p0  }
0x20: {  	[sflag:s8] =	ssyncset.s32 @!p0 $0xFFFFF086;
	s6 =	sadd.s32 @!p0 s3, s7;
	s7 =	simm.s32 @!p0 $0x108  }
0x21: {  	s3 =	sadd.s32 s3, s9;
	s6 =	sadd.s32 @!p0 $0x88, s6;
	s7 =	simm.s32 @p2 $0x1082  }
0x22: {  	[simem:s7], [sflag:s8] =	dma.local @!p0 [hbm:s6], $0xF7A  }
0x23: {  	s9 =	sor.u32 $0xD0000000, s2;
	s6 =	simm.s32 $0x108;
	_ =	swait.ge @!p0 [sflag:s8], $0x0  }
0x24: {  	s3 =	sadd.s32 $0x88, s3;
	s6 =	simm.s32 @!p1 $0x1082;
	[sflag:s4] =	ssyncset.s32 $0xFFFFF086  }
0x25: {  	[simem:s6], [sflag:s4] =	dma.local [hbm:s3], $0xF7A  }
0x26: {  	[smem:$0x3F9B] =	sst s1;
	(tag) =	ssettag s2;
	_ =	strace s9  }
0x27: {  	s1 =	sld [smem:$0x3FAB]  }
0x28: {  	s2 =	sld [smem:$0x3FAC]  }
0x29: {  	s4 =	sld [smem:$0x3FAE]  }
0x2a: {  	p0 =	seq.s32 s5, $0x0;
	s5 =	sld [smem:$0x3FAF]  }
0x2b: {  	s6 =	sld [smem:$0x3FB0]  }
0x2c: {  	s7 =	sld [smem:$0x3FB1]  }
0x2d: {  	s3 =	simm.s32 $0x108;
	s8 =	sld [smem:$0x3FB2]  }
0x2e: {  	s3 =	simm.s32 @!p0 $0x1082;
	s9 =	sld [smem:$0x3FB3]  }
0x2f: {  	lr =	sadd.s32 s0, s3;
	s0 =	sld [smem:$0x3FAA]  }
0x30: {  	s3 =	sld [smem:$0x3FAD]  }
0x31: {  	[smem:$0x3FB6] =	sst s10  }
0x32: {  	s10 =	sld [smem:$0x3FB4];
	_ =	sdelay $0x3  }
0x33: {  	p0 =	seq.s32 s10, $0x1;
	s10 =	sld [smem:$0x3FB6];
	_ =	sdelay $0x3  }
0x34: {  	[smem:$0x3FB6] =	sst s10  }
0x35: {  	s10 =	sld [smem:$0x3FB5];
	_ =	sdelay $0x3  }
0x36: {  	p1 =	seq.s32 s10, $0x1;
	s10 =	sld [smem:$0x3FB6];
	_ =	sdelay $0x3  }
0x37: {  	[smem:$0x3FB6] =	sst s10  }
0x38: {  	s10 =	sld [smem:$0x3FB7]  }
0x39: {  	_ = 	snop;
	(pc) =	sbr.ind lr, $3  }
0x3a: {  	_ = 	snop  }
0x3b: {  	_ = 	snop  }
0x3c: {  	p2 =	seq.s32 s10, $0x1;
	s10 =	sld [smem:$0x3FB6]  }
0x3d: {  	_ =	shalt  }
0x3e: {  	_ =	shalt  }
0x3f: {  	_ =	shalt  }
0x40: {  	_ =	shalt  }
0x41: {  	_ =	shalt  }
0x42: {  	_ =	shalt  }
0x43: {  	_ =	shalt  }
0x44: {  	_ =	shalt  }
0x45: {  	_ =	shalt  }
0x46: {  	_ =	shalt  }
0x47: {  	_ =	shalt  }
0x48: {  	_ =	shalt  }
0x49: {  	_ =	shalt  }
0x4a: {  	_ =	shalt  }
0x4b: {  	_ =	shalt  }
0x4c: {  	_ =	shalt  }
0x4d: {  	_ =	shalt  }
0x4e: {  	_ =	shalt  }
0x4f: {  	_ =	shalt  }
0x50: {  	_ =	shalt  }
0x51: {  	_ =	shalt  }
0x52: {  	_ =	shalt  }
0x53: {  	_ =	shalt  }
0x54: {  	_ =	shalt  }
0x55: {  	_ =	shalt  }
0x56: {  	_ =	shalt  }
0x57: {  	_ =	shalt  }
0x58: {  	_ =	shalt  }
0x59: {  	_ =	shalt  }
0x5a: {  	_ =	shalt  }
0x5b: {  	_ =	shalt  }
0x5c: {  	_ =	shalt  }
0x5d: {  	_ =	shalt  }
0x5e: {  	_ =	shalt  }
0x5f: {  	_ =	shalt  }
0x60: {  	_ =	shalt  }
0x61: {  	_ =	shalt  }
0x62: {  	_ =	shalt  }
0x63: {  	_ =	shalt  }
0x64: {  	_ =	shalt  }
0x65: {  	_ =	shalt  }
0x66: {  	_ =	shalt  }
0x67: {  	_ =	shalt  }
0x68: {  	_ =	shalt  }
0x69: {  	_ =	shalt  }
0x6a: {  	_ =	shalt  }
0x6b: {  	_ =	shalt  }
0x6c: {  	_ =	shalt  }
0x6d: {  	_ =	shalt  }
0x6e: {  	_ =	shalt  }
0x6f: {  	_ =	shalt  }
0x70: {  	_ =	shalt  }
0x71: {  	_ =	shalt  }
0x72: {  	_ =	shalt  }
0x73: {  	_ =	shalt  }
0x74: {  	_ =	shalt  }
0x75: {  	_ =	shalt  }
0x76: {  	_ =	shalt  }
0x77: {  	_ =	shalt  }
0x78: {  	_ =	shalt  }
0x79: {  	_ =	shalt  }
0x7a: {  	_ =	shalt  }
0x7b: {  	_ =	shalt  }
0x7c: {  	_ =	shalt  }
0x7d: {  	_ =	shalt  }
0x7e: {  	_ =	shalt  }
0x7f: {  	_ =	shalt  }
0x80: {  	_ =	shalt  }
0x81: {  	_ =	shalt  }
0x82: {  	_ =	shalt  }
0x83: {  	_ =	shalt  }
0x84: {  	_ =	shalt  }
0x85: {  	_ =	shalt  }
0x86: {  	_ =	shalt  }
0x87: {  	_ =	shalt  }
.Lfunc_end0:
.L_simem_size_0:
called_computation.1_lowered:
.L_overlay_start_0:
0x88: {  	s2 =	sld [smem:$0x3FD9]  }
0x89: {  	s3 =	sld [smem:$0x3FFE];
	_ =	sdelay $0x1  }
0x8a: {  	s1 =	srdreg.scid  }
0x8b: {  	s0 =	sand.u32 $0x1, s1  }
0x8c: {  	s17 =	sshll.u32 s0, $0xA;
	s2 =	sadd.s32 s3, s2  }
0x8d: {  	s2 =	sadd.s32 s2, s17  }
0x8e: {  	[smem:$0x3FC2] =	sst s2  }
0x8f: {  	_ = 	snop  }
0x90: {  	s2 =	sld [smem:$0x3FD0];
	(tm) =	ssettm $0x1  }
0x91: {  	s18 =	sld [smem:$0x3FFB];
	_ =	sdelay $0x3  }
0x92: {  	_ =	strace s18  }
0x93: {  	s3 =	sld [smem:$0x3FFC];
	_ =	sdelay $0x3  }
0x94: {  	_ =	strace s3  }
0x95: {  	s3 =	sld [smem:$0x3FFD];
	_ =	sdelay $0x3  }
0x96: {  	_ =	strace s3  }
0x97: {  	_ =	strace $0x8FFFFFFF  }
0x98: {  	s19 =	sld [smem:$0x3FDB];
	_ =	sdelay $0x1  }
0x99: {  	s4 =	simm.s32 $_scs_section_size  }
0x9a: {  	s5 =	simm.s32 $_size__tile_overlayer_lowered;
	s6 =	simm.s32 $_tile_overlayer_lowered  }
0x9b: {  	s22 =	simm.s32 $0x1BFF;
	s21 =	sshll.u32 s6, $0x1;
	s3 =	sadd.s32 s4, s19  }
0x9c: {  	s7 =	simm.s32 $0x0;
	s20 =	sshll.u32 s5, $0x1;
	s5 =	sadd.s32 s21, s3  }
0x9d: {  	[timem:s7], [sflag:s22] =	dma.local [hbm:s5], s20  }
0x9e: {  	_ =	swait.ge [sflag:s22], s20  }
0x9f: {  	s4 =	ssub.s32 $0x0, s20;
	[sflag:s22] =	ssyncset.done $0x0  }
0xa0: {  	[sflag:s22] =	ssyncadd.s32 s4;
	_ =	sdelay $0x1  }
0xa1: {  	s23 =	simm.s32 $0x1B8B  }
0xa2: {  	_ =	swait.ge [sflag:s23], $0x1  }
0xa3: {  	[sflag:s23] =	ssyncset.done $0x0  }
0xa4: {  	s25 =	simm.s32 $0x1B8E;
	s24 =	sld [smem:$0x3FFE];
	[sflag:s23] =	ssyncadd.s32 $0xFFFFFFFF  }
0xa5: {  	s26 =	simm.s32 $execute0_lowered;
	[smem:$0x3FD2] =	sst s25  }
0xa6: {  	s5 =	sshll.u32 s26, $0x1;
	_ =	strace $0x80000049;
	[dreg:$0x1] =	wrdreg $0xFFFFFFFF  }
0xa7: {  	s28 =	simm.s32 $_size_execute0_lowered;
	s3 =	sadd.s32 s3, s5;
	[dreg:$0x0] =	wrdreg $0x0  }
0xa8: {  	s5 =	sshll.u32 s28, $0x1;
	[dreg:$0x2] =	wrdreg s3  }
0xa9: {  	[dreg:$0x3] =	wrdreg s5  }
0xaa: {  	[dreg:$0x4] =	wrdreg $0xC0  }
0xab: {  	_ =	task [dreg:s7], $0x5FFFF  }
0xac: {  	[dreg:$0x1] =	wrdreg $0xFFFFFFFF  }
0xad: {  	[dreg:$0x0] =	wrdreg $0x60  }
0xae: {  	[dreg:$0x2] =	wrdreg s2  }
0xaf: {  	[dreg:$0x3] =	wrdreg s24  }
0xb0: {  	[dreg:$0x4] =	wrdreg $0x90000  }
0xb1: {  	[dreg:$0x5] =	wrdreg $0x9  }
0xb2: {  	_ =	task.clear_ibuf [dreg:s7], $0x6FFFF;
	_ =	strace $0x90000049  }
0xb3: {  	s29 =	simm.s32 $0x9;
	_ =	strace $0x8000004B  }
0xb4: {  	_ =	swait.ge [sflag:s29], $0x1  }
0xb5: {  	[sflag:s29] =	ssyncadd.s32 $0xFFFFFFFF  }
0xb6: {  	_ =	strace $0x9000004B  }
0xb7: {  	_ =	sfence  }
0xb8: {  	s30 =	sld [smem:$0x0];
	_ =	sdelay $0x2  }
0xb9: {  	s31 =	sshll.u32 s1, $0xD;
	s1 =	sshrl.u32 s1, $0x2  }
0xba: {  	s3 =	sand.u32 $0x4000, s31;
	s1 =	sadd.s32 s1, s30  }
0xbb: {  	s0 =	sor.u32 s3, s0;
	s1 =	sshll.u32 s1, $0x11  }
0xbc: {  	s0 =	sor.u32 s1, s0  }
0xbd: {  	s0 =	sadd.s32 $0x8F2B, s0  }
0xbe: {  	[sflag:s0] =	ssyncadd.remote.s32 $0x1  }
0xbf: {  	_ =	sfence.sel $0xFFFF  }
0xc0: {  	[dreg:$0x0] =	wrdreg $0xFFFFFFFF;
	(pc) =	sbr.abs _section_cstart, $3  }
0xc1: {  	[dreg:$0x1] =	wrdreg $0xFFFFFFFF  }
0xc2: {  	_ =	task.clear_ibuf [dreg:s7], $0x2FFFF;
	_ =	strace $0x9FFFFFFF  }
0xc3: {  	(tm) =	ssettm $0x7FFFFFFF  }
tec
execute0_lowered:
.L_overlay_start_1:
0x0: {  	(tag) =	ssettag $0x1  }
0x1: {  	s0 =	srdreg.scid;
	s6 =	rddreg [dreg:$0x1]  }
0x2: {  	s15 =	stileid.u32;
	s2 =	rddreg [dreg:$0x2];
	s3 =	simm.s32 $0x0  }
0x3: {  	s11 =	simm.s32 $0x2800;
	s12 =	simm.s32 $0x80;
	s13 =	simm.s32 $0x5000  }
0x4: {  	s14 =	simm.s32 $0x1;
	s17 =	simm.s32 $0x0;
	s5 =	sand.u32 $0x1, s0  }
0x5: {  	s1 =	sshll.u32 s15, $0x1;
	s0 =	rddreg [dreg:$0x0];
	s8 =	smul.u32 $0x14000, s15  }
0x6: {  	[smem:$0x7FF] =	sst s3;
	s31 =	smul.u32 $0x50000, s15;
	p0 =	sne.s32 s15, $0x0  }
0x7: {  	s15 =	sshll.u32 s15, $0x6;
	s1 =	sor.u32 s5, s1;
	s7 =	smul.u32 $0x140000, s5  }
0x8: {  	s5 =	ssub.s32 $0x2, s5;
	s15 =	sor.u32 $0x1C02, s15;
	s4 =	smul.u32 $0x500, s1  }
0x9: {  	s1 =	rddreg [dreg:$0x3];
	_ =	strace $0x8000004A;
	s30 =	sshrl.u32 s5, $0x1  }
0xa: {  	s7 =	sadd.s32 s8, s7;
	s10 =	ssub.s32 s5, s30;
	s8 =	sshrl.u32 s31, $0x2  }
0xb: {  	s9 =	sadd.s32 s4, s6;
	s4 =	sadd.s32 $0x16000, s6;
	s7 =	sshrl.u32 s7, $0x3  }
0xc: {  	s16 =	sadd.s32 s8, s2;
	s8 =	smax.u32 s10, $0x1;
	s10 =	simm.s32 $0x2  }
0xd: {  	s7 =	sadd.s32 s7, s6;
	s5 =	sadd.s32 $0xC000, s9;
	s6 =	sadd.s32 $0x1A00, s9  }
0xe: {  	s9 =	sshrl.u32 @!p0 s2, $0x3;
	s16 =	sshrl.u32 s16, $0x3;
	s7 =	sadd.s32 $0x3E000, s7  }
.LBB2_1:
0xf: {  	s18 =	simm.s32 @!p0 $0x1C02  }
0x10: {  	[spmem:s9], [sflag:s18] =	dma.local @!p0 [hbm:s4], $0x28000  }
0x11: {  	s18 =	simm.s32 @!p0 $0x2  }
0x12: {  	_ =	swait.ge @!p0 [sflag:s18], $0x28000  }
0x13: {  	[sflag:s18] =	ssyncset.done @!p0 $0x0  }
0x14: {  	[sflag:s18] =	ssyncadd.s32 @!p0 $0xFFFD8000  }
0x15: {  	[tilespmem:s3], [sflag:$0x2] =	stream.linear.gather [hbm4b:s5+s3], $0x2780, $0x38;
	[tilespmem:$0x1D000] =	vst v63  }
0x16: {  	_ =	swait.ge [sflag:s10], $0x2780  }
0x17: {  	[sflag:s10] =	ssyncset.done $0x0  }
0x18: {  	[sflag:s10] =	ssyncadd.s32 $0xFFFFD880  }
0x19: {  	[tilespmem:s11], [sflag:$0x2] =	stream.linear.gather [hbm4b:s6+s3], $0x2780, $0x38;
	[tilespmem:$0x1D000] =	vst v63  }
0x1a: {  	_ =	swait.ge [sflag:s10], $0x2780  }
0x1b: {  	[sflag:s10] =	ssyncset.done $0x0  }
0x1c: {  	[sflag:s10] =	ssyncadd.s32 $0xFFFFD880  }
0x1d: {  	s30 =	simm.s32 $0x0;
	[bflag:$0x0] =	sbarrier.arrive $0xFFFF  }
0x1e: {  	[tilespmem:s13], [sflag:$0x1] =	stream.indirect.gather [hbm4b:s0+s12], $0x80, s30, s12, $0xb8;
	[tilespmem:$0x1D000] =	vst v63  }
0x1f: {  	_ =	swait.ge [sflag:s14], $0x4000  }
0x20: {  	[sflag:s14] =	ssyncset.done $0x0  }
0x21: {  	s31 =	simm.s32 $0x2800;
	[sflag:s14] =	ssyncadd.s32 $0xFFFFC000  }
0x22: {  	[spmem:s2] =	stream.indirect.scatter.add.f32 [tilespmem:s13], [sflag:$0x2], $0x80, s31, s12, $0xb8;
	[tilespmem:$0x1D000] =	vst v63  }
0x23: {  	_ =	swait.ge [sflag:s10], $0x4000  }
0x24: {  	s19 =	simm.s32 $0x400;
	s18 =	simm.s32 $0x200;
	[sflag:s10] =	ssyncset.done $0x0  }
.LBB2_2:
0x25: {  	s20 =	sshra.s32 s18, $0x2  }
0x26: {  	[sflag:s10] =	ssyncadd.s32 $0xFFFFC000;
	s18 =	smov.u32 s19;
	s21 =	sadd.s32 $0x200, s19  }
0x27: {  	[tilespmem:s13], [sflag:$0x1] =	stream.indirect.gather [hbm4b:s0+s12], $0x80, s20, s12, $0xb8;
	[tilespmem:$0x1D000] =	vst v63  }
0x28: {  	p1 =	sne.s32 s19, $0x9C00;
	_ =	swait.ge [sflag:s14], $0x4000  }
.Ltmp0:
0x29: {  	[sflag:s14] =	ssyncset.done $0x0;
	(pc) =	sbr.rel @p1 .LBB2_2-.Ltmp0, $4  }
0x2a: {  	s19 =	sadd.s32 $0x2800, s20;
	[sflag:s14] =	ssyncadd.s32 $0xFFFFC000  }
0x2b: {  	[spmem:s2] =	stream.indirect.scatter.add.f32 [tilespmem:s13], [sflag:$0x2], $0x80, s19, s12, $0xb8;
	[tilespmem:$0x1D000] =	vst v63  }
0x2c: {  	_ =	swait.ge [sflag:s10], $0x4000  }
0x2d: {  	s19 =	smov.u32 s21;
	[sflag:s10] =	ssyncset.done $0x0  }
0x2e: {  	s18 =	sshra.s32 s18, $0x2;
	[sflag:s10] =	ssyncadd.s32 $0xFFFFC000  }
0x2f: {  	[tilespmem:s13], [sflag:$0x1] =	stream.indirect.gather [hbm4b:s0+s12], $0x80, s18, s12, $0xb8;
	[tilespmem:$0x1D000] =	vst v63  }
0x30: {  	_ =	swait.ge [sflag:s14], $0x4000  }
0x31: {  	[sflag:s14] =	ssyncset.done $0x0  }
0x32: {  	s18 =	sadd.s32 $0x2800, s18;
	[sflag:s14] =	ssyncadd.s32 $0xFFFFC000  }
0x33: {  	[spmem:s2] =	stream.indirect.scatter.add.f32 [tilespmem:s13], [sflag:$0x2], $0x80, s18, s12, $0xb8;
	[tilespmem:$0x1D000] =	vst v63  }
0x34: {  	_ =	swait.ge [sflag:s10], $0x4000  }
0x35: {  	s17 =	sadd.s32 $0x1, s17;
	[sflag:s10] =	ssyncset.done $0x0  }
0x36: {  	p1 =	sne.s32 s17, s8;
	[sflag:s10] =	ssyncadd.s32 $0xFFFFC000  }
.Ltmp1:
0x37: {  	[bflag:$0x0] =	sbarrier.arrive $0xFFFF;
	(pc) =	sbr.rel @p1 .LBB2_1-.Ltmp1, $4  }
0x38: {  	[hbm:s7], [sflag:s15] =	dma.local [spmem:s16], $0x2800  }
0x39: {  	_ =	swait.ge [sflag:s10], $0x2800  }
0x3a: {  	[sflag:s10] =	ssyncset.done $0x0  }
0x3b: {  	[sflag:s10] =	ssyncadd.s32 $0xFFFFD800  }
0x3c: {  	_ =	sfence.sel $0x180000  }
0x3d: {  	[bflag:$0x0] =	sbarrier.arrive $0xFFFF  }
0x3e: {  	_ =	strace $0x9000004A  }
0x3f: {  	s0 =	sadd.s32 @!p0 $0x100000, s1;
	[bflag:$0x2] =	sbarrier.arrive $0xFFFF  }
0x40: {  	[sflag:s0] =	ssyncadd.tile.s32 @!p0 $0x1;
	_ =	shalt  }
.Lfunc_end2:
_tile_overlayer_lowered:
.L_overlay_start_2:
0x41: {  	(tag) =	ssettag $0x2  }
0x42: {  	s0 =	rddreg [dreg:$0x0];
	s2 =	stileid.u32  }
0x43: {  	s1 =	rddreg [dreg:$0x1];
	p0 =	sne.s32 s2, $0x0  }
0x44: {  	s3 =	rddreg [dreg:$0x2];
	[bflag:$0x3] =	sbarrier.arrive $0xFFFF;
	s2 =	simm.s32 @!p0 $0x1C02  }
0x45: {  	[timem:s3], [sflag:s2] =	dma.local @!p0 [hbm:s0], s1  }
0x46: {  	s0 =	simm.s32 @!p0 $0x2  }
0x47: {  	_ =	swait.ge @!p0 [sflag:s0], s1  }
0x48: {  	s1 =	ssub.s32 @!p0 $0x0, s1;
	[sflag:s0] =	ssyncset.done @!p0 $0x0  }
0x49: {  	[sflag:s0] =	ssyncadd.s32 @!p0 s1  }
0x4a: {  	[bflag:$0x3] =	sbarrier.arrive $0xFFFF  }
0x4b: {  	_ =	shalt  }

</sc_bundles>
